<compile_context>
chip_gen: v7x
topology: tpu7x:2x2x1
jax: 0.10.2.dev20260603
libtpu: 0.0.44.dev20260713+nightly
codegen_flags: <defaults>
</compile_context>

<pallas_src>
import functools

import jax
import jax.numpy as jnp
from jax import lax
from jax.experimental import pallas as pl
from jax.experimental.pallas import tpu as pltpu
from jax.experimental.pallas import tpu_sc as plsc

N = 10000
E = 160000
D = 256
DE = 16
HALF = N // 2
PADH = 5120
DUMP = 5100
CHUNK = 80
EPT = E // 16
NCHUNK = EPT // CHUNK
TPR = PADH // 16


def _sc_segment_sums(nfeats, sd_pack, ef_aug):
    mesh = plsc.VectorSubcoreMesh(core_axis_name="c", subcore_axis_name="s")

    @functools.partial(
        pl.kernel,
        mesh=mesh,
        out_type=[
            jax.ShapeDtypeStruct((N, D), jnp.float32),
            jax.ShapeDtypeStruct((N, 2 * DE), jnp.bfloat16),
        ],
        scratch_types=[
            pltpu.VMEM((2 * CHUNK,), jnp.int32),
            pltpu.VMEM((2 * CHUNK,), jnp.int32),
            pltpu.VMEM((CHUNK,), jnp.int32),
            pltpu.VMEM((CHUNK,), jnp.int32),
            pltpu.VMEM((2 * CHUNK, D), jnp.float32),
            pltpu.VMEM((CHUNK, 2 * DE), jnp.bfloat16),
            pltpu.VMEM((CHUNK, 2 * DE), jnp.bfloat16),
            pltpu.VMEM_SHARED((PADH, D), jnp.float32),
            pltpu.VMEM_SHARED((PADH, 2 * DE), jnp.bfloat16),
            pltpu.SemaphoreType.DMA,
            pltpu.SemaphoreType.DMA,
            pltpu.SemaphoreType.DMA,
            pltpu.SemaphoreType.DMA,
        ],
        compiler_params=pltpu.CompilerParams(use_tc_tiling_on_sc=False),
    )
    def k(nf, sdr, efr, sn_out, sd_out,
          sd0, sd1, loc0, loc1, rows_v, em0, em1,
          acc_n, acc_m, sem0, sem1, sem_e0, sem_e1):
        c = lax.axis_index("c")
        s = lax.axis_index("s")
        lo = c * HALF

        zeros16 = jnp.zeros((16,), jnp.float32)
        zeros32b = jnp.zeros((32,), jnp.bfloat16)

        def initrow(j, carry):
            for t in range(D // 16):
                rows_v[j, pl.ds(t * 16, 16)] = zeros16
            return carry

        lax.fori_loop(0, 2 * CHUNK, initrow, 0)

        def initem(j, carry):
            em0[j, :] = zeros32b
            return carry

        lax.fori_loop(0, CHUNK, initem, 0)

        r0 = s * TPR
        for t in range(TPR // (2 * CHUNK)):
            pltpu.sync_copy(rows_v,
                            acc_n.at[pl.ds(r0 + t * 2 * CHUNK, 2 * CHUNK)])
        for t in range(TPR // CHUNK):
            pltpu.sync_copy(em0, acc_m.at[pl.ds(r0 + t * CHUNK, CHUNK)])
        plsc.subcore_barrier()

        sdb = (sd0, sd1)
        emb = (em0, em1)
        esem = (sem_e0, sem_e1)

        def fire(i, h, sem):
            g = s * NCHUNK + i
            pltpu.sync_copy(sdr.at[pl.ds(g * 2 * CHUNK, 2 * CHUNK)], sdb[h])
            pltpu.async_copy(efr.at[pl.ds(s * EPT + i * CHUNK, CHUNK)],
                             emb[h], esem[h])
            return pltpu.async_copy(
                nf.at[sdb[h].at[pl.ds(0, CHUNK)]],
                rows_v.at[pl.ds(h * CHUNK, CHUNK)], sem)

        def process(i, h, locb):
            pltpu.make_async_copy(
                efr.at[pl.ds(0, CHUNK)], emb[h], esem[h]).wait()
            for j in range(CHUNK // 16):
                d = sdb[h][pl.ds(CHUNK + j * 16, 16)]
                inr = (d >= lo) & (d < lo + HALF)
                locb[pl.ds(j * 16, 16)] = jnp.where(inr, d - lo, DUMP)
            pltpu.sync_copy(rows_v.at[pl.ds(h * CHUNK, CHUNK)],
                            acc_n.at[locb], add=True)
            pltpu.sync_copy(emb[h], acc_m.at[locb], add=True)

        def gwait(h, sem):
            pltpu.make_async_copy(
                nf.at[sdb[h].at[pl.ds(0, CHUNK)]],
                rows_v.at[pl.ds(h * CHUNK, CHUNK)], sem).wait()

        fire(0, 0, sem0)

        def pair_body(p, carry):
            fire(2 * p + 1, 1, sem1)
            gwait(0, sem0)
            process(2 * p, 0, loc0)
            fire(2 * p + 2, 0, sem0)
            gwait(1, sem1)
            process(2 * p + 1, 1, loc1)
            return carry

        lax.fori_loop(0, (NCHUNK - 1) // 2, pair_body, 0)
        gwait(0, sem0)
        process(NCHUNK - 1, 0, loc0)
        plsc.subcore_barrier()

        o0 = c * HALF + r0
        pltpu.sync_copy(acc_n.at[pl.ds(r0, 200)], sn_out.at[pl.ds(o0, 200)])
        pltpu.sync_copy(acc_m.at[pl.ds(r0, 200)], sd_out.at[pl.ds(o0, 200)])

        @pl.when(s < 15)
        def _():
            pltpu.sync_copy(acc_n.at[pl.ds(r0 + 200, 120)],
                            sn_out.at[pl.ds(o0 + 200, 120)])
            pltpu.sync_copy(acc_m.at[pl.ds(r0 + 200, 120)],
                            sd_out.at[pl.ds(o0 + 200, 120)])

    return k(nfeats, sd_pack, ef_aug)


_F32 = jnp.float32
_HI = lax.Precision.DEFAULT


def _tc_pre(nfeats, wa1, w1, w2, wa2, bm, ba):
    BM = 1000

    def body(nf_ref, wa1_ref, w1_ref, w2_ref, wa2_ref, bm_ref, ba_ref,
             p_ref, v1_ref, v2_ref, vb_ref):
        p_ref[:, :] = (
            jnp.dot(nf_ref[:, :], wa1_ref[:, :],
                    preferred_element_type=_F32, precision=_HI)
            + ba_ref[:, :]
        )
        @pl.when(pl.program_id(0) == 0)
        def _():
            v1_ref[:, :] = jnp.dot(w1_ref[:, :], wa2_ref[:, :],
                                   preferred_element_type=_F32, precision=_HI)
            v2_ref[:, :] = jnp.dot(w2_ref[:, :], wa2_ref[:, :],
                                   preferred_element_type=_F32, precision=_HI)
            vb_ref[:, :] = jnp.dot(bm_ref[:, :], wa2_ref[:, :],
                                   preferred_element_type=_F32, precision=_HI)

    return pl.pallas_call(
        body,
        grid=(N // BM,),
        in_specs=[
            pl.BlockSpec((BM, D), lambda i: (i, 0)),
            pl.BlockSpec((D, D), lambda i: (0, 0)),
            pl.BlockSpec((D, D), lambda i: (0, 0)),
            pl.BlockSpec((DE, D), lambda i: (0, 0)),
            pl.BlockSpec((D, D), lambda i: (0, 0)),
            pl.BlockSpec((1, D), lambda i: (0, 0)),
            pl.BlockSpec((1, D), lambda i: (0, 0)),
        ],
        out_specs=[
            pl.BlockSpec((BM, D), lambda i: (i, 0)),
            pl.BlockSpec((D, D), lambda i: (0, 0)),
            pl.BlockSpec((DE, D), lambda i: (0, 0)),
            pl.BlockSpec((1, D), lambda i: (0, 0)),
        ],
        out_shape=[
            jax.ShapeDtypeStruct((N, D), _F32),
            jax.ShapeDtypeStruct((D, D), _F32),
            jax.ShapeDtypeStruct((DE, D), _F32),
            jax.ShapeDtypeStruct((1, D), _F32),
        ],
    )(nfeats, wa1, w1, w2, wa2, bm, ba)


def _tc_post(p, sn_p, sd_p, v1, v2, vb):
    BM = 1000

    def body(p_ref, sn_ref, sd_ref, v1_ref, v2_ref, vb_ref, out_ref):
        sd = sd_ref[:, :].astype(_F32)
        deg = sd[:, DE:DE + 1]
        inv = jnp.where(deg > 0.0, 1.0 / jnp.maximum(deg, 1.0), 0.0)
        msk = jnp.where(deg > 0.0, 1.0, 0.0)
        acc = (
            p_ref[:, :]
            + jnp.dot(sn_ref[:, :] * inv, v1_ref[:, :],
                      preferred_element_type=_F32, precision=_HI)
            + jnp.dot(sd[:, 0:DE] * inv, v2_ref[:, :],
                      preferred_element_type=_F32, precision=_HI)
            + msk * vb_ref[:, :]
        )
        out_ref[:, :] = jnp.maximum(acc, 0.0)

    return pl.pallas_call(
        body,
        grid=(N // BM,),
        in_specs=[
            pl.BlockSpec((BM, D), lambda i: (i, 0)),
            pl.BlockSpec((BM, D), lambda i: (i, 0)),
            pl.BlockSpec((BM, 2 * DE), lambda i: (i, 0)),
            pl.BlockSpec((D, D), lambda i: (0, 0)),
            pl.BlockSpec((DE, D), lambda i: (0, 0)),
            pl.BlockSpec((1, D), lambda i: (0, 0)),
        ],
        out_specs=pl.BlockSpec((BM, D), lambda i: (i, 0)),
        out_shape=jax.ShapeDtypeStruct((N, D), _F32),
    )(p, sn_p, sd_p, v1, v2, vb)


def kernel(nfeats, edge_index, efeats, W_msg, b_msg, W_apply, b_apply):
    srci = edge_index[0]
    dsti = edge_index[1]
    sd_pack = jnp.stack(
        [srci.reshape(E // CHUNK, CHUNK),
         dsti.reshape(E // CHUNK, CHUNK)], axis=1).reshape(-1)
    ef_aug = jnp.concatenate(
        [efeats.astype(jnp.bfloat16),
         jnp.ones((E, DE), jnp.bfloat16)], axis=1)
    w1 = W_msg[:D]
    w2 = W_msg[D:]
    wa1 = W_apply[:D]
    wa2 = W_apply[D:]
    p, v1, v2, vb = _tc_pre(nfeats, wa1, w1, w2, wa2,
                            b_msg.reshape(1, D), b_apply.reshape(1, D))
    sn_p, sd_p = _sc_segment_sums(nfeats, sd_pack, ef_aug)
    return _tc_post(p, sn_p, sd_p, v1, v2, vb)

# --- scband reference (transcript-rebuilt; emitter-appended) ---
"""Pipeline reference for scband-sagelayer-18056042512799 (READ-ONLY COPY).

The authoritative reference and input builder live on the scoring server;
editing this copy changes nothing except your own understanding.
"""

import jax, jax.numpy as jnp
import numpy as np

N = 10000
E = 160000
D_IN = 256
D_E = 16
D_OUT = 256


def setup_inputs(seed: int = 0) -> dict:
    key = jax.random.key(seed)
    k1, k2, k3, k4, k5 = jax.random.split(key, 5)
    nfeats = jax.random.normal(k1, (N, D_IN), dtype=jnp.float32)
    edge_index = jax.random.randint(k2, (2, E), 0, N, dtype=jnp.int32)
    efeats = jax.random.normal(k3, (E, D_E), dtype=jnp.float32)
    # Linear W_msg: (ndim_in + edims) -> ndim_out
    W_msg = jax.random.normal(k4, (D_IN + D_E, D_OUT), dtype=jnp.float32) * 0.05
    b_msg = jnp.zeros((D_OUT,), dtype=jnp.float32)
    # Linear W_apply: (ndim_in + ndim_out) -> ndim_out
    W_apply = jax.random.normal(k5, (D_IN + D_OUT, D_OUT), dtype=jnp.float32) * 0.05
    b_apply = jnp.zeros((D_OUT,), dtype=jnp.float32)
    return {
        "nfeats": nfeats,
        "edge_index": edge_index,
        "efeats": efeats,
        "W_msg": W_msg,
        "b_msg": b_msg,
        "W_apply": W_apply,
        "b_apply": b_apply,
    }


def reference(nfeats, edge_index, efeats, W_msg, b_msg, W_apply, b_apply):
    src = edge_index[0]
    dst = edge_index[1]
    # message_func: m = W_msg(cat([src_h, edge_h], dim=1))
    src_h = jnp.take(nfeats, src, axis=0)
    m = jnp.concatenate([src_h, efeats], axis=1) @ W_msg + b_msg
    # fn.mean('m', 'h_neigh'): mean of incoming messages per destination node
    msg_sum = jax.ops.segment_sum(m, dst, num_segments=N)
    deg = jax.ops.segment_sum(jnp.ones((E,), dtype=m.dtype), dst, num_segments=N)
    h_neigh = jnp.where(deg[:, None] > 0, msg_sum / jnp.maximum(deg, 1.0)[:, None], 0.0)
    # apply: relu(W_apply(cat([h, h_neigh], dim=1)))
    out = jax.nn.relu(jnp.concatenate([nfeats, h_neigh], axis=1) @ W_apply + b_apply)
    return out

if __name__ == "__main__":
    import jax
    _d = setup_inputs()
    print(jax.jit(kernel)(*tuple(_d.values())))

</pallas_src>

<mosaic_0001>
#map = affine_map<(d0, d1) -> (0, 0)>
#map1 = affine_map<(d0, d1) -> (0)>
module attributes {stable_mosaic.version = 14 : i64} {
  func.func @k(%arg0: i32, %arg1: i32, %arg2: memref<10000x256xf32, #tpu.memory_space<hbm>>, %arg3: memref<320000xi32, #tpu.memory_space<hbm>>, %arg4: memref<160000x32xbf16, #tpu.memory_space<hbm>>, %arg5: memref<10000x256xf32, #tpu.memory_space<hbm>>, %arg6: memref<10000x32xbf16, #tpu.memory_space<hbm>>, %arg7: memref<160xi32, #tpu.memory_space<vmem>>, %arg8: memref<160xi32, #tpu.memory_space<vmem>>, %arg9: memref<80xi32, #tpu.memory_space<vmem>>, %arg10: memref<80xi32, #tpu.memory_space<vmem>>, %arg11: memref<160x256xf32, #tpu.memory_space<vmem>>, %arg12: memref<80x32xbf16, #tpu.memory_space<vmem>>, %arg13: memref<80x32xbf16, #tpu.memory_space<vmem>>, %arg14: memref<5120x256xf32, #tpu.memory_space<vmem_shared>>, %arg15: memref<5120x32xbf16, #tpu.memory_space<vmem_shared>>, %arg16: memref<!tpu.dma_semaphore, #tpu.memory_space<semaphore_mem>>, %arg17: memref<!tpu.dma_semaphore, #tpu.memory_space<semaphore_mem>>, %arg18: memref<!tpu.dma_semaphore, #tpu.memory_space<semaphore_mem>>, %arg19: memref<!tpu.dma_semaphore, #tpu.memory_space<semaphore_mem>>) attributes {dimension_semantics = [#tpu.dimension_semantics<core_parallel>, #tpu.dimension_semantics<subcore_parallel>], iteration_bounds = array<i64: 2, 16>, scalar_prefetch = 0 : i64, scratch_operands = 13 : i64, tpu.core_type = #tpu.core_type<sc_vector_subcore>, window_params = [{transform_indices = #map}, {transform_indices = #map1}, {transform_indices = #map}, {transform_indices = #map}, {transform_indices = #map}]} {
    %mul3A = arith.constant 5000 : i32
    %mul3A_0 = arith.muli %arg0, %mul3A : i32
    %broadcast_in_dim3A = arith.constant 0.000000e+00 : f32
    %broadcast_in_dim3A_1 = vector.broadcast %broadcast_in_dim3A : f32 to vector<16xf32>
    %broadcast_in_dim3A_2 = arith.constant 0.000000e+00 : bf16
    %broadcast_in_dim3A_3 = vector.broadcast %broadcast_in_dim3A_2 : bf16 to vector<32xbf16>
    %scan3A = arith.constant 0 : i32
    %scan3A_4 = arith.constant 0 : i32
    %scan3A_5 = arith.constant 160 : i32
    %scan3A_6 = arith.addi %scan3A_4, %scan3A_5 : i32
    %scan3A_7 = arith.constant 1 : i32
    scf.for %scan3A_164 = %scan3A_4 to %scan3A_6 step %scan3A_7  : i32 {
      %swap3A_165 = arith.index_cast %scan3A_164 : i32 to index
      %swap3A_166 = arith.constant 0 : index
      %swap3A_167 = tpu.vector_load %arg11[%swap3A_165, %swap3A_166] {strides = array<i32>} : memref<160x256xf32, #tpu.memory_space<vmem>>, vector<1x16xf32>,
      %swap3A_168 = vector.shape_cast %swap3A_167 : vector<1x16xf32> to vector<16xf32>
      %swap3A_169 = vector.shape_cast %broadcast_in_dim3A_1 : vector<16xf32> to vector<1x16xf32>
      tpu.vector_store %arg11[%swap3A_165, %swap3A_166], %swap3A_169 {strides = array<i32>} : memref<160x256xf32, #tpu.memory_space<vmem>>, vector<1x16xf32>,
      %swap3A_170 = arith.index_cast %scan3A_164 : i32 to index
      %swap3A_171 = arith.constant 16 : index
      %swap3A_172 = tpu.vector_load %arg11[%swap3A_170, %swap3A_171] {strides = array<i32>} : memref<160x256xf32, #tpu.memory_space<vmem>>, vector<1x16xf32>,
      %swap3A_173 = vector.shape_cast %swap3A_172 : vector<1x16xf32> to vector<16xf32>
      %swap3A_174 = vector.shape_cast %broadcast_in_dim3A_1 : vector<16xf32> to vector<1x16xf32>
      tpu.vector_store %arg11[%swap3A_170, %swap3A_171], %swap3A_174 {strides = array<i32>} : memref<160x256xf32, #tpu.memory_space<vmem>>, vector<1x16xf32>,
      %swap3A_175 = arith.index_cast %scan3A_164 : i32 to index
      %swap3A_176 = arith.constant 32 : index
      %swap3A_177 = tpu.vector_load %arg11[%swap3A_175, %swap3A_176] {strides = array<i32>} : memref<160x256xf32, #tpu.memory_space<vmem>>, vector<1x16xf32>,
      %swap3A_178 = vector.shape_cast %swap3A_177 : vector<1x16xf32> to vector<16xf32>
      %swap3A_179 = vector.shape_cast %broadcast_in_dim3A_1 : vector<16xf32> to vector<1x16xf32>
      tpu.vector_store %arg11[%swap3A_175, %swap3A_176], %swap3A_179 {strides = array<i32>} : memref<160x256xf32, #tpu.memory_space<vmem>>, vector<1x16xf32>,
      %swap3A_180 = arith.index_cast %scan3A_164 : i32 to index
      %swap3A_181 = arith.constant 48 : index
      %swap3A_182 = tpu.vector_load %arg11[%swap3A_180, %swap3A_181] {strides = array<i32>} : memref<160x256xf32, #tpu.memory_space<vmem>>, vector<1x16xf32>,
      %swap3A_183 = vector.shape_cast %swap3A_182 : vector<1x16xf32> to vector<16xf32>
      %swap3A_184 = vector.shape_cast %broadcast_in_dim3A_1 : vector<16xf32> to vector<1x16xf32>
      tpu.vector_store %arg11[%swap3A_180, %swap3A_181], %swap3A_184 {strides = array<i32>} : memref<160x256xf32, #tpu.memory_space<vmem>>, vector<1x16xf32>,
      %swap3A_185 = arith.index_cast %scan3A_164 : i32 to index
      %swap3A_186 = arith.constant 64 : index
      %swap3A_187 = tpu.vector_load %arg11[%swap3A_185, %swap3A_186] {strides = array<i32>} : memref<160x256xf32, #tpu.memory_space<vmem>>, vector<1x16xf32>,
      %swap3A_188 = vector.shape_cast %swap3A_187 : vector<1x16xf32> to vector<16xf32>
      %swap3A_189 = vector.shape_cast %broadcast_in_dim3A_1 : vector<16xf32> to vector<1x16xf32>
      tpu.vector_store %arg11[%swap3A_185, %swap3A_186], %swap3A_189 {strides = array<i32>} : memref<160x256xf32, #tpu.memory_space<vmem>>, vector<1x16xf32>,
      %swap3A_190 = arith.index_cast %scan3A_164 : i32 to index
      %swap3A_191 = arith.constant 80 : index
      %swap3A_192 = tpu.vector_load %arg11[%swap3A_190, %swap3A_191] {strides = array<i32>} : memref<160x256xf32, #tpu.memory_space<vmem>>, vector<1x16xf32>,
      %swap3A_193 = vector.shape_cast %swap3A_192 : vector<1x16xf32> to vector<16xf32>
      %swap3A_194 = vector.shape_cast %broadcast_in_dim3A_1 : vector<16xf32> to vector<1x16xf32>
      tpu.vector_store %arg11[%swap3A_190, %swap3A_191], %swap3A_194 {strides = array<i32>} : memref<160x256xf32, #tpu.memory_space<vmem>>, vector<1x16xf32>,
      %swap3A_195 = arith.index_cast %scan3A_164 : i32 to index
      %swap3A_196 = arith.constant 96 : index
      %swap3A_197 = tpu.vector_load %arg11[%swap3A_195, %swap3A_196] {strides = array<i32>} : memref<160x256xf32, #tpu.memory_space<vmem>>, vector<1x16xf32>,
      %swap3A_198 = vector.shape_cast %swap3A_197 : vector<1x16xf32> to vector<16xf32>
      %swap3A_199 = vector.shape_cast %broadcast_in_dim3A_1 : vector<16xf32> to vector<1x16xf32>
      tpu.vector_store %arg11[%swap3A_195, %swap3A_196], %swap3A_199 {strides = array<i32>} : memref<160x256xf32, #tpu.memory_space<vmem>>, vector<1x16xf32>,
      %swap3A_200 = arith.index_cast %scan3A_164 : i32 to index
      %swap3A_201 = arith.constant 112 : index
      %swap3A_202 = tpu.vector_load %arg11[%swap3A_200, %swap3A_201] {strides = array<i32>} : memref<160x256xf32, #tpu.memory_space<vmem>>, vector<1x16xf32>,
      %swap3A_203 = vector.shape_cast %swap3A_202 : vector<1x16xf32> to vector<16xf32>
      %swap3A_204 = vector.shape_cast %broadcast_in_dim3A_1 : vector<16xf32> to vector<1x16xf32>
      tpu.vector_store %arg11[%swap3A_200, %swap3A_201], %swap3A_204 {strides = array<i32>} : memref<160x256xf32, #tpu.memory_space<vmem>>, vector<1x16xf32>,
      %swap3A_205 = arith.index_cast %scan3A_164 : i32 to index
      %swap3A_206 = arith.constant 128 : index
      %swap3A_207 = tpu.vector_load %arg11[%swap3A_205, %swap3A_206] {strides = array<i32>} : memref<160x256xf32, #tpu.memory_space<vmem>>, vector<1x16xf32>,
      %swap3A_208 = vector.shape_cast %swap3A_207 : vector<1x16xf32> to vector<16xf32>
      %swap3A_209 = vector.shape_cast %broadcast_in_dim3A_1 : vector<16xf32> to vector<1x16xf32>
      tpu.vector_store %arg11[%swap3A_205, %swap3A_206], %swap3A_209 {strides = array<i32>} : memref<160x256xf32, #tpu.memory_space<vmem>>, vector<1x16xf32>,
      %swap3A_210 = arith.index_cast %scan3A_164 : i32 to index
      %swap3A_211 = arith.constant 144 : index
      %swap3A_212 = tpu.vector_load %arg11[%swap3A_210, %swap3A_211] {strides = array<i32>} : memref<160x256xf32, #tpu.memory_space<vmem>>, vector<1x16xf32>,
      %swap3A_213 = vector.shape_cast %swap3A_212 : vector<1x16xf32> to vector<16xf32>
      %swap3A_214 = vector.shape_cast %broadcast_in_dim3A_1 : vector<16xf32> to vector<1x16xf32>
      tpu.vector_store %arg11[%swap3A_210, %swap3A_211], %swap3A_214 {strides = array<i32>} : memref<160x256xf32, #tpu.memory_space<vmem>>, vector<1x16xf32>,
      %swap3A_215 = arith.index_cast %scan3A_164 : i32 to index
      %swap3A_216 = arith.constant 160 : index
      %swap3A_217 = tpu.vector_load %arg11[%swap3A_215, %swap3A_216] {strides = array<i32>} : memref<160x256xf32, #tpu.memory_space<vmem>>, vector<1x16xf32>,
      %swap3A_218 = vector.shape_cast %swap3A_217 : vector<1x16xf32> to vector<16xf32>
      %swap3A_219 = vector.shape_cast %broadcast_in_dim3A_1 : vector<16xf32> to vector<1x16xf32>
      tpu.vector_store %arg11[%swap3A_215, %swap3A_216], %swap3A_219 {strides = array<i32>} : memref<160x256xf32, #tpu.memory_space<vmem>>, vector<1x16xf32>,
      %swap3A_220 = arith.index_cast %scan3A_164 : i32 to index
      %swap3A_221 = arith.constant 176 : index
      %swap3A_222 = tpu.vector_load %arg11[%swap3A_220, %swap3A_221] {strides = array<i32>} : memref<160x256xf32, #tpu.memory_space<vmem>>, vector<1x16xf32>,
      %swap3A_223 = vector.shape_cast %swap3A_222 : vector<1x16xf32> to vector<16xf32>
      %swap3A_224 = vector.shape_cast %broadcast_in_dim3A_1 : vector<16xf32> to vector<1x16xf32>
      tpu.vector_store %arg11[%swap3A_220, %swap3A_221], %swap3A_224 {strides = array<i32>} : memref<160x256xf32, #tpu.memory_space<vmem>>, vector<1x16xf32>,
      %swap3A_225 = arith.index_cast %scan3A_164 : i32 to index
      %swap3A_226 = arith.constant 192 : index
      %swap3A_227 = tpu.vector_load %arg11[%swap3A_225, %swap3A_226] {strides = array<i32>} : memref<160x256xf32, #tpu.memory_space<vmem>>, vector<1x16xf32>,
      %swap3A_228 = vector.shape_cast %swap3A_227 : vector<1x16xf32> to vector<16xf32>
      %swap3A_229 = vector.shape_cast %broadcast_in_dim3A_1 : vector<16xf32> to vector<1x16xf32>
      tpu.vector_store %arg11[%swap3A_225, %swap3A_226], %swap3A_229 {strides = array<i32>} : memref<160x256xf32, #tpu.memory_space<vmem>>, vector<1x16xf32>,
      %swap3A_230 = arith.index_cast %scan3A_164 : i32 to index
      %swap3A_231 = arith.constant 208 : index
      %swap3A_232 = tpu.vector_load %arg11[%swap3A_230, %swap3A_231] {strides = array<i32>} : memref<160x256xf32, #tpu.memory_space<vmem>>, vector<1x16xf32>,
      %swap3A_233 = vector.shape_cast %swap3A_232 : vector<1x16xf32> to vector<16xf32>
      %swap3A_234 = vector.shape_cast %broadcast_in_dim3A_1 : vector<16xf32> to vector<1x16xf32>
      tpu.vector_store %arg11[%swap3A_230, %swap3A_231], %swap3A_234 {strides = array<i32>} : memref<160x256xf32, #tpu.memory_space<vmem>>, vector<1x16xf32>,
      %swap3A_235 = arith.index_cast %scan3A_164 : i32 to index
      %swap3A_236 = arith.constant 224 : index
      %swap3A_237 = tpu.vector_load %arg11[%swap3A_235, %swap3A_236] {strides = array<i32>} : memref<160x256xf32, #tpu.memory_space<vmem>>, vector<1x16xf32>,
      %swap3A_238 = vector.shape_cast %swap3A_237 : vector<1x16xf32> to vector<16xf32>
      %swap3A_239 = vector.shape_cast %broadcast_in_dim3A_1 : vector<16xf32> to vector<1x16xf32>
      tpu.vector_store %arg11[%swap3A_235, %swap3A_236], %swap3A_239 {strides = array<i32>} : memref<160x256xf32, #tpu.memory_space<vmem>>, vector<1x16xf32>,
      %swap3A_240 = arith.index_cast %scan3A_164 : i32 to index
      %swap3A_241 = arith.constant 240 : index
      %swap3A_242 = tpu.vector_load %arg11[%swap3A_240, %swap3A_241] {strides = array<i32>} : memref<160x256xf32, #tpu.memory_space<vmem>>, vector<1x16xf32>,
      %swap3A_243 = vector.shape_cast %swap3A_242 : vector<1x16xf32> to vector<16xf32>
      %swap3A_244 = vector.shape_cast %broadcast_in_dim3A_1 : vector<16xf32> to vector<1x16xf32>
      tpu.vector_store %arg11[%swap3A_240, %swap3A_241], %swap3A_244 {strides = array<i32>} : memref<160x256xf32, #tpu.memory_space<vmem>>, vector<1x16xf32>,
    }
    %scan3A_8 = arith.constant 160 : i32
    %scan3A_9 = arith.constant 0 : i32
    %scan3A_10 = arith.constant 0 : i32
    %scan3A_11 = arith.constant 80 : i32
    %scan3A_12 = arith.addi %scan3A_10, %scan3A_11 : i32
    %scan3A_13 = arith.constant 1 : i32
    scf.for %scan3A_164 = %scan3A_10 to %scan3A_12 step %scan3A_13  : i32 {
      %swap3A_165 = arith.index_cast %scan3A_164 : i32 to index
      %swap3A_166 = arith.constant 0 : index
      %swap3A_167 = tpu.vector_load %arg12[%swap3A_165, %swap3A_166] {strides = array<i32>} : memref<80x32xbf16, #tpu.memory_space<vmem>>, vector<1x32xbf16>,
      %swap3A_168 = vector.shape_cast %swap3A_167 : vector<1x32xbf16> to vector<32xbf16>
      %swap3A_169 = vector.shape_cast %broadcast_in_dim3A_3 : vector<32xbf16> to vector<1x32xbf16>
      tpu.vector_store %arg12[%swap3A_165, %swap3A_166], %swap3A_169 {strides = array<i32>} : memref<80x32xbf16, #tpu.memory_space<vmem>>, vector<1x32xbf16>,
    }
    %scan3A_14 = arith.constant 80 : i32
    %mul3A_15 = arith.constant 320 : i32
    %mul3A_16 = arith.muli %arg1, %mul3A_15 : i32
    %add3A = arith.constant 0 : i32
    %add3A_17 = arith.addi %mul3A_16, %add3A : i32
    "tpu.region"() ({
      %run_scoped3A = tpu.sem_alloc : memref<!tpu.dma_semaphore, #tpu.memory_space<semaphore_mem>>
      %dma_start3A_164 = arith.constant 0 : i32
      %dma_start3A_165 = tpu.memref_slice %arg14[%add3A_17, %dma_start3A_164] : memref<5120x256xf32, #tpu.memory_space<vmem_shared>> -> memref<160x256xf32, #tpu.memory_space<vmem_shared>>
      %dma_start3A_166 = arith.constant 0 : i32
      %dma_start3A_167 = tpu.memref_slice %arg14[%add3A_17, %dma_start3A_166] : memref<5120x256xf32, #tpu.memory_space<vmem_shared>> -> memref<160x256xf32, #tpu.memory_space<vmem_shared>>
      tpu.enqueue_dma source(%arg11 : memref<160x256xf32, #tpu.memory_space<vmem>>) target(%dma_start3A_167 : memref<160x256xf32, #tpu.memory_space<vmem_shared>>) target_semaphore(%run_scoped3A : memref<!tpu.dma_semaphore, #tpu.memory_space<semaphore_mem>>)
      %dma_wait3A_168 = arith.constant 0 : i32
      %dma_wait3A_169 = tpu.memref_slice %arg14[%add3A_17, %dma_wait3A_168] : memref<5120x256xf32, #tpu.memory_space<vmem_shared>> -> memref<160x256xf32, #tpu.memory_space<vmem_shared>>
      %dma_wait3A_170 = arith.constant 0 : i32
      %dma_wait3A_171 = tpu.memref_slice %arg14[%add3A_17, %dma_wait3A_170] : memref<5120x256xf32, #tpu.memory_space<vmem_shared>> -> memref<160x256xf32, #tpu.memory_space<vmem_shared>>
      tpu.wait_dma2 semaphore(%run_scoped3A : memref<!tpu.dma_semaphore, #tpu.memory_space<semaphore_mem>>) src(%arg11 : memref<160x256xf32, #tpu.memory_space<vmem>>) dst(%dma_wait3A_171 : memref<160x256xf32, #tpu.memory_space<vmem_shared>>)
      tpu.yield
    }) : () -> ()
    %add3A_18 = arith.constant 160 : i32
    %add3A_19 = arith.addi %mul3A_16, %add3A_18 : i32
    "tpu.region"() ({
      %run_scoped3A = tpu.sem_alloc : memref<!tpu.dma_semaphore, #tpu.memory_space<semaphore_mem>>
      %dma_start3A_164 = arith.constant 0 : i32
      %dma_start3A_165 = tpu.memref_slice %arg14[%add3A_19, %dma_start3A_164] : memref<5120x256xf32, #tpu.memory_space<vmem_shared>> -> memref<160x256xf32, #tpu.memory_space<vmem_shared>>
      %dma_start3A_166 = arith.constant 0 : i32
      %dma_start3A_167 = tpu.memref_slice %arg14[%add3A_19, %dma_start3A_166] : memref<5120x256xf32, #tpu.memory_space<vmem_shared>> -> memref<160x256xf32, #tpu.memory_space<vmem_shared>>
      tpu.enqueue_dma source(%arg11 : memref<160x256xf32, #tpu.memory_space<vmem>>) target(%dma_start3A_167 : memref<160x256xf32, #tpu.memory_space<vmem_shared>>) target_semaphore(%run_scoped3A : memref<!tpu.dma_semaphore, #tpu.memory_space<semaphore_mem>>)
      %dma_wait3A_168 = arith.constant 0 : i32
      %dma_wait3A_169 = tpu.memref_slice %arg14[%add3A_19, %dma_wait3A_168] : memref<5120x256xf32, #tpu.memory_space<vmem_shared>> -> memref<160x256xf32, #tpu.memory_space<vmem_shared>>
      %dma_wait3A_170 = arith.constant 0 : i32
      %dma_wait3A_171 = tpu.memref_slice %arg14[%add3A_19, %dma_wait3A_170] : memref<5120x256xf32, #tpu.memory_space<vmem_shared>> -> memref<160x256xf32, #tpu.memory_space<vmem_shared>>
      tpu.wait_dma2 semaphore(%run_scoped3A : memref<!tpu.dma_semaphore, #tpu.memory_space<semaphore_mem>>) src(%arg11 : memref<160x256xf32, #tpu.memory_space<vmem>>) dst(%dma_wait3A_171 : memref<160x256xf32, #tpu.memory_space<vmem_shared>>)
      tpu.yield
    }) : () -> ()
    %add3A_20 = arith.constant 0 : i32
    %add3A_21 = arith.addi %mul3A_16, %add3A_20 : i32
    "tpu.region"() ({
      %run_scoped3A = tpu.sem_alloc : memref<!tpu.dma_semaphore, #tpu.memory_space<semaphore_mem>>
      %dma_start3A_164 = arith.constant 0 : i32
      %dma_start3A_165 = tpu.memref_slice %arg15[%add3A_21, %dma_start3A_164] : memref<5120x32xbf16, #tpu.memory_space<vmem_shared>> -> memref<80x32xbf16, #tpu.memory_space<vmem_shared>>
      %dma_start3A_166 = arith.constant 0 : i32
      %dma_start3A_167 = tpu.memref_slice %arg15[%add3A_21, %dma_start3A_166] : memref<5120x32xbf16, #tpu.memory_space<vmem_shared>> -> memref<80x32xbf16, #tpu.memory_space<vmem_shared>>
      tpu.enqueue_dma source(%arg12 : memref<80x32xbf16, #tpu.memory_space<vmem>>) target(%dma_start3A_167 : memref<80x32xbf16, #tpu.memory_space<vmem_shared>>) target_semaphore(%run_scoped3A : memref<!tpu.dma_semaphore, #tpu.memory_space<semaphore_mem>>)
      %dma_wait3A_168 = arith.constant 0 : i32
      %dma_wait3A_169 = tpu.memref_slice %arg15[%add3A_21, %dma_wait3A_168] : memref<5120x32xbf16, #tpu.memory_space<vmem_shared>> -> memref<80x32xbf16, #tpu.memory_space<vmem_shared>>
      %dma_wait3A_170 = arith.constant 0 : i32
      %dma_wait3A_171 = tpu.memref_slice %arg15[%add3A_21, %dma_wait3A_170] : memref<5120x32xbf16, #tpu.memory_space<vmem_shared>> -> memref<80x32xbf16, #tpu.memory_space<vmem_shared>>
      tpu.wait_dma2 semaphore(%run_scoped3A : memref<!tpu.dma_semaphore, #tpu.memory_space<semaphore_mem>>) src(%arg12 : memref<80x32xbf16, #tpu.memory_space<vmem>>) dst(%dma_wait3A_171 : memref<80x32xbf16, #tpu.memory_space<vmem_shared>>)
      tpu.yield
    }) : () -> ()
    %add3A_22 = arith.constant 80 : i32
    %add3A_23 = arith.addi %mul3A_16, %add3A_22 : i32
    "tpu.region"() ({
      %run_scoped3A = tpu.sem_alloc : memref<!tpu.dma_semaphore, #tpu.memory_space<semaphore_mem>>
      %dma_start3A_164 = arith.constant 0 : i32
      %dma_start3A_165 = tpu.memref_slice %arg15[%add3A_23, %dma_start3A_164] : memref<5120x32xbf16, #tpu.memory_space<vmem_shared>> -> memref<80x32xbf16, #tpu.memory_space<vmem_shared>>
      %dma_start3A_166 = arith.constant 0 : i32
      %dma_start3A_167 = tpu.memref_slice %arg15[%add3A_23, %dma_start3A_166] : memref<5120x32xbf16, #tpu.memory_space<vmem_shared>> -> memref<80x32xbf16, #tpu.memory_space<vmem_shared>>
      tpu.enqueue_dma source(%arg12 : memref<80x32xbf16, #tpu.memory_space<vmem>>) target(%dma_start3A_167 : memref<80x32xbf16, #tpu.memory_space<vmem_shared>>) target_semaphore(%run_scoped3A : memref<!tpu.dma_semaphore, #tpu.memory_space<semaphore_mem>>)
      %dma_wait3A_168 = arith.constant 0 : i32
      %dma_wait3A_169 = tpu.memref_slice %arg15[%add3A_23, %dma_wait3A_168] : memref<5120x32xbf16, #tpu.memory_space<vmem_shared>> -> memref<80x32xbf16, #tpu.memory_space<vmem_shared>>
      %dma_wait3A_170 = arith.constant 0 : i32
      %dma_wait3A_171 = tpu.memref_slice %arg15[%add3A_23, %dma_wait3A_170] : memref<5120x32xbf16, #tpu.memory_space<vmem_shared>> -> memref<80x32xbf16, #tpu.memory_space<vmem_shared>>
      tpu.wait_dma2 semaphore(%run_scoped3A : memref<!tpu.dma_semaphore, #tpu.memory_space<semaphore_mem>>) src(%arg12 : memref<80x32xbf16, #tpu.memory_space<vmem>>) dst(%dma_wait3A_171 : memref<80x32xbf16, #tpu.memory_space<vmem_shared>>)
      tpu.yield
    }) : () -> ()
    %add3A_24 = arith.constant 160 : i32
    %add3A_25 = arith.addi %mul3A_16, %add3A_24 : i32
    "tpu.region"() ({
      %run_scoped3A = tpu.sem_alloc : memref<!tpu.dma_semaphore, #tpu.memory_space<semaphore_mem>>
      %dma_start3A_164 = arith.constant 0 : i32
      %dma_start3A_165 = tpu.memref_slice %arg15[%add3A_25, %dma_start3A_164] : memref<5120x32xbf16, #tpu.memory_space<vmem_shared>> -> memref<80x32xbf16, #tpu.memory_space<vmem_shared>>
      %dma_start3A_166 = arith.constant 0 : i32
      %dma_start3A_167 = tpu.memref_slice %arg15[%add3A_25, %dma_start3A_166] : memref<5120x32xbf16, #tpu.memory_space<vmem_shared>> -> memref<80x32xbf16, #tpu.memory_space<vmem_shared>>
      tpu.enqueue_dma source(%arg12 : memref<80x32xbf16, #tpu.memory_space<vmem>>) target(%dma_start3A_167 : memref<80x32xbf16, #tpu.memory_space<vmem_shared>>) target_semaphore(%run_scoped3A : memref<!tpu.dma_semaphore, #tpu.memory_space<semaphore_mem>>)
      %dma_wait3A_168 = arith.constant 0 : i32
      %dma_wait3A_169 = tpu.memref_slice %arg15[%add3A_25, %dma_wait3A_168] : memref<5120x32xbf16, #tpu.memory_space<vmem_shared>> -> memref<80x32xbf16, #tpu.memory_space<vmem_shared>>
      %dma_wait3A_170 = arith.constant 0 : i32
      %dma_wait3A_171 = tpu.memref_slice %arg15[%add3A_25, %dma_wait3A_170] : memref<5120x32xbf16, #tpu.memory_space<vmem_shared>> -> memref<80x32xbf16, #tpu.memory_space<vmem_shared>>
      tpu.wait_dma2 semaphore(%run_scoped3A : memref<!tpu.dma_semaphore, #tpu.memory_space<semaphore_mem>>) src(%arg12 : memref<80x32xbf16, #tpu.memory_space<vmem>>) dst(%dma_wait3A_171 : memref<80x32xbf16, #tpu.memory_space<vmem_shared>>)
      tpu.yield
    }) : () -> ()
    %add3A_26 = arith.constant 240 : i32
    %add3A_27 = arith.addi %mul3A_16, %add3A_26 : i32
    "tpu.region"() ({
      %run_scoped3A = tpu.sem_alloc : memref<!tpu.dma_semaphore, #tpu.memory_space<semaphore_mem>>
      %dma_start3A_164 = arith.constant 0 : i32
      %dma_start3A_165 = tpu.memref_slice %arg15[%add3A_27, %dma_start3A_164] : memref<5120x32xbf16, #tpu.memory_space<vmem_shared>> -> memref<80x32xbf16, #tpu.memory_space<vmem_shared>>
      %dma_start3A_166 = arith.constant 0 : i32
      %dma_start3A_167 = tpu.memref_slice %arg15[%add3A_27, %dma_start3A_166] : memref<5120x32xbf16, #tpu.memory_space<vmem_shared>> -> memref<80x32xbf16, #tpu.memory_space<vmem_shared>>
      tpu.enqueue_dma source(%arg12 : memref<80x32xbf16, #tpu.memory_space<vmem>>) target(%dma_start3A_167 : memref<80x32xbf16, #tpu.memory_space<vmem_shared>>) target_semaphore(%run_scoped3A : memref<!tpu.dma_semaphore, #tpu.memory_space<semaphore_mem>>)
      %dma_wait3A_168 = arith.constant 0 : i32
      %dma_wait3A_169 = tpu.memref_slice %arg15[%add3A_27, %dma_wait3A_168] : memref<5120x32xbf16, #tpu.memory_space<vmem_shared>> -> memref<80x32xbf16, #tpu.memory_space<vmem_shared>>
      %dma_wait3A_170 = arith.constant 0 : i32
      %dma_wait3A_171 = tpu.memref_slice %arg15[%add3A_27, %dma_wait3A_170] : memref<5120x32xbf16, #tpu.memory_space<vmem_shared>> -> memref<80x32xbf16, #tpu.memory_space<vmem_shared>>
      tpu.wait_dma2 semaphore(%run_scoped3A : memref<!tpu.dma_semaphore, #tpu.memory_space<semaphore_mem>>) src(%arg12 : memref<80x32xbf16, #tpu.memory_space<vmem>>) dst(%dma_wait3A_171 : memref<80x32xbf16, #tpu.memory_space<vmem_shared>>)
      tpu.yield
    }) : () -> ()
    %barrier3A = arith.constant 0 : index
    tpu.barrier barrier_id(%barrier3A)
    %mul3A_28 = arith.constant 125 : i32
    %mul3A_29 = arith.muli %arg1, %mul3A_28 : i32
    %add3A_30 = arith.constant 0 : i32
    %add3A_31 = arith.addi %mul3A_29, %add3A_30 : i32
    %mul3A_32 = arith.constant 2 : i32
    %mul3A_33 = arith.muli %add3A_31, %mul3A_32 : i32
    %mul3A_34 = arith.constant 80 : i32
    %mul3A_35 = arith.muli %mul3A_33, %mul3A_34 : i32
    "tpu.region"() ({
      %run_scoped3A = tpu.sem_alloc : memref<!tpu.dma_semaphore, #tpu.memory_space<semaphore_mem>>
      %dma_start3A_164 = tpu.memref_slice %arg3[%mul3A_35] : memref<320000xi32, #tpu.memory_space<hbm>> -> memref<160xi32, #tpu.memory_space<hbm>>
      %dma_start3A_165 = tpu.memref_slice %arg3[%mul3A_35] : memref<320000xi32, #tpu.memory_space<hbm>> -> memref<160xi32, #tpu.memory_space<hbm>>
      tpu.enqueue_dma source(%dma_start3A_165 : memref<160xi32, #tpu.memory_space<hbm>>) target(%arg7 : memref<160xi32, #tpu.memory_space<vmem>>) target_semaphore(%run_scoped3A : memref<!tpu.dma_semaphore, #tpu.memory_space<semaphore_mem>>)
      %dma_wait3A_166 = tpu.memref_slice %arg3[%mul3A_35] : memref<320000xi32, #tpu.memory_space<hbm>> -> memref<160xi32, #tpu.memory_space<hbm>>
      %dma_wait3A_167 = tpu.memref_slice %arg3[%mul3A_35] : memref<320000xi32, #tpu.memory_space<hbm>> -> memref<160xi32, #tpu.memory_space<hbm>>
      tpu.wait_dma2 semaphore(%run_scoped3A : memref<!tpu.dma_semaphore, #tpu.memory_space<semaphore_mem>>) src(%dma_wait3A_167 : memref<160xi32, #tpu.memory_space<hbm>>) dst(%arg7 : memref<160xi32, #tpu.memory_space<vmem>>)
      tpu.yield
    }) : () -> ()
    %mul3A_36 = arith.constant 10000 : i32
    %mul3A_37 = arith.muli %arg1, %mul3A_36 : i32
    %add3A_38 = arith.constant 0 : i32
    %add3A_39 = arith.addi %mul3A_37, %add3A_38 : i32
    %dma_start3A = arith.constant 0 : i32
    %dma_start3A_40 = tpu.memref_slice %arg4[%add3A_39, %dma_start3A] : memref<160000x32xbf16, #tpu.memory_space<hbm>> -> memref<80x32xbf16, #tpu.memory_space<hbm>>
    %dma_start3A_41 = arith.constant 0 : i32
    %dma_start3A_42 = tpu.memref_slice %arg4[%add3A_39, %dma_start3A_41] : memref<160000x32xbf16, #tpu.memory_space<hbm>> -> memref<80x32xbf16, #tpu.memory_space<hbm>>
    tpu.enqueue_dma source(%dma_start3A_42 : memref<80x32xbf16, #tpu.memory_space<hbm>>) target(%arg12 : memref<80x32xbf16, #tpu.memory_space<vmem>>) target_semaphore(%arg18 : memref<!tpu.dma_semaphore, #tpu.memory_space<semaphore_mem>>)
    %dma_start3A_43 = arith.constant 0 : i32
    %dma_start3A_44 = arith.constant 0 : i32
    %dma_start3A_45 = tpu.memref_slice %arg11[%dma_start3A_43, %dma_start3A_44] : memref<160x256xf32, #tpu.memory_space<vmem>> -> memref<80x256xf32, #tpu.memory_space<vmem>>
    %dma_start3A_46 = arith.constant 0 : i32
    %dma_start3A_47 = tpu.memref_slice %arg7[%dma_start3A_46] : memref<160xi32, #tpu.memory_space<vmem>> -> memref<80xi32, #tpu.memory_space<vmem>>
    %dma_start3A_48 = arith.constant 0 : i32
    %dma_start3A_49 = arith.constant 0 : i32
    %dma_start3A_50 = tpu.memref_slice %arg2[%dma_start3A_48, %dma_start3A_49] : memref<10000x256xf32, #tpu.memory_space<hbm>> -> memref<10000x256xf32, #tpu.memory_space<hbm>>
    tpu.enqueue_indirect_dma source(%dma_start3A_50 : memref<10000x256xf32, #tpu.memory_space<hbm>>) target(%dma_start3A_45 : memref<80x256xf32, #tpu.memory_space<vmem>>) offsets(%dma_start3A_47 : memref<80xi32, #tpu.memory_space<vmem>>) semaphore(%arg16 : memref<!tpu.dma_semaphore, #tpu.memory_space<semaphore_mem>>)
    %scan3A_51 = arith.constant 0 : i32
    %scan3A_52 = arith.constant 0 : i32
    %scan3A_53 = arith.constant 62 : i32
    %scan3A_54 = arith.addi %scan3A_52, %scan3A_53 : i32
    %scan3A_55 = arith.constant 1 : i32
    scf.for %scan3A_164 = %scan3A_52 to %scan3A_54 step %scan3A_55  : i32 {
      %mul3A_165 = arith.constant 2 : i32
      %mul3A_166 = arith.muli %mul3A_165, %scan3A_164 : i32
      %add3A_167 = arith.constant 1 : i32
      %add3A_168 = arith.addi %mul3A_166, %add3A_167 : i32
      %mul3A_169 = arith.constant 125 : i32
      %mul3A_170 = arith.muli %arg1, %mul3A_169 : i32
      %add3A_171 = arith.addi %mul3A_170, %add3A_168 : i32
      %mul3A_172 = arith.constant 2 : i32
      %mul3A_173 = arith.muli %add3A_171, %mul3A_172 : i32
      %mul3A_174 = arith.constant 80 : i32
      %mul3A_175 = arith.muli %mul3A_173, %mul3A_174 : i32
      "tpu.region"() ({
        %run_scoped3A = tpu.sem_alloc : memref<!tpu.dma_semaphore, #tpu.memory_space<semaphore_mem>>
        %dma_start3A_445 = tpu.memref_slice %arg3[%mul3A_175] : memref<320000xi32, #tpu.memory_space<hbm>> -> memref<160xi32, #tpu.memory_space<hbm>>
        %dma_start3A_446 = tpu.memref_slice %arg3[%mul3A_175] : memref<320000xi32, #tpu.memory_space<hbm>> -> memref<160xi32, #tpu.memory_space<hbm>>
        tpu.enqueue_dma source(%dma_start3A_446 : memref<160xi32, #tpu.memory_space<hbm>>) target(%arg8 : memref<160xi32, #tpu.memory_space<vmem>>) target_semaphore(%run_scoped3A : memref<!tpu.dma_semaphore, #tpu.memory_space<semaphore_mem>>)
        %dma_wait3A_447 = tpu.memref_slice %arg3[%mul3A_175] : memref<320000xi32, #tpu.memory_space<hbm>> -> memref<160xi32, #tpu.memory_space<hbm>>
        %dma_wait3A_448 = tpu.memref_slice %arg3[%mul3A_175] : memref<320000xi32, #tpu.memory_space<hbm>> -> memref<160xi32, #tpu.memory_space<hbm>>
        tpu.wait_dma2 semaphore(%run_scoped3A : memref<!tpu.dma_semaphore, #tpu.memory_space<semaphore_mem>>) src(%dma_wait3A_448 : memref<160xi32, #tpu.memory_space<hbm>>) dst(%arg8 : memref<160xi32, #tpu.memory_space<vmem>>)
        tpu.yield
      }) : () -> ()
      %mul3A_176 = arith.constant 10000 : i32
      %mul3A_177 = arith.muli %arg1, %mul3A_176 : i32
      %mul3A_178 = arith.constant 80 : i32
      %mul3A_179 = arith.muli %add3A_168, %mul3A_178 : i32
      %add3A_180 = arith.addi %mul3A_177, %mul3A_179 : i32
      %dma_start3A_181 = arith.constant 0 : i32
      %dma_start3A_182 = tpu.memref_slice %arg4[%add3A_180, %dma_start3A_181] : memref<160000x32xbf16, #tpu.memory_space<hbm>> -> memref<80x32xbf16, #tpu.memory_space<hbm>>
      %dma_start3A_183 = arith.constant 0 : i32
      %dma_start3A_184 = tpu.memref_slice %arg4[%add3A_180, %dma_start3A_183] : memref<160000x32xbf16, #tpu.memory_space<hbm>> -> memref<80x32xbf16, #tpu.memory_space<hbm>>
      tpu.enqueue_dma source(%dma_start3A_184 : memref<80x32xbf16, #tpu.memory_space<hbm>>) target(%arg13 : memref<80x32xbf16, #tpu.memory_space<vmem>>) target_semaphore(%arg19 : memref<!tpu.dma_semaphore, #tpu.memory_space<semaphore_mem>>)
      %dma_start3A_185 = arith.constant 80 : i32
      %dma_start3A_186 = arith.constant 0 : i32
      %dma_start3A_187 = tpu.memref_slice %arg11[%dma_start3A_185, %dma_start3A_186] : memref<160x256xf32, #tpu.memory_space<vmem>> -> memref<80x256xf32, #tpu.memory_space<vmem>>
      %dma_start3A_188 = arith.constant 0 : i32
      %dma_start3A_189 = tpu.memref_slice %arg8[%dma_start3A_188] : memref<160xi32, #tpu.memory_space<vmem>> -> memref<80xi32, #tpu.memory_space<vmem>>
      %dma_start3A_190 = arith.constant 0 : i32
      %dma_start3A_191 = arith.constant 0 : i32
      %dma_start3A_192 = tpu.memref_slice %arg2[%dma_start3A_190, %dma_start3A_191] : memref<10000x256xf32, #tpu.memory_space<hbm>> -> memref<10000x256xf32, #tpu.memory_space<hbm>>
      tpu.enqueue_indirect_dma source(%dma_start3A_192 : memref<10000x256xf32, #tpu.memory_space<hbm>>) target(%dma_start3A_187 : memref<80x256xf32, #tpu.memory_space<vmem>>) offsets(%dma_start3A_189 : memref<80xi32, #tpu.memory_space<vmem>>) semaphore(%arg17 : memref<!tpu.dma_semaphore, #tpu.memory_space<semaphore_mem>>)
      %dma_wait3A_193 = arith.constant 0 : i32
      %dma_wait3A_194 = arith.constant 0 : i32
      %dma_wait3A_195 = tpu.memref_slice %arg11[%dma_wait3A_193, %dma_wait3A_194] : memref<160x256xf32, #tpu.memory_space<vmem>> -> memref<80x256xf32, #tpu.memory_space<vmem>>
      %dma_wait3A_196 = arith.constant 0 : i32
      %dma_wait3A_197 = tpu.memref_slice %arg7[%dma_wait3A_196] : memref<160xi32, #tpu.memory_space<vmem>> -> memref<80xi32, #tpu.memory_space<vmem>>
      %dma_wait3A_198 = arith.constant 0 : i32
      %dma_wait3A_199 = arith.constant 0 : i32
      %dma_wait3A_200 = tpu.memref_slice %arg2[%dma_wait3A_198, %dma_wait3A_199] : memref<10000x256xf32, #tpu.memory_space<hbm>> -> memref<10000x256xf32, #tpu.memory_space<hbm>>
      tpu.wait_indirect_dma semaphore(%arg16 : memref<!tpu.dma_semaphore, #tpu.memory_space<semaphore_mem>>) src(%dma_wait3A_200 : memref<10000x256xf32, #tpu.memory_space<hbm>>) dst(%dma_wait3A_195 : memref<80x256xf32, #tpu.memory_space<vmem>>)
      %mul3A_201 = arith.constant 2 : i32
      %mul3A_202 = arith.muli %mul3A_201, %scan3A_164 : i32
      %dma_wait3A_203 = arith.constant 0 : i32
      %dma_wait3A_204 = arith.constant 0 : i32
      %dma_wait3A_205 = tpu.memref_slice %arg4[%dma_wait3A_203, %dma_wait3A_204] : memref<160000x32xbf16, #tpu.memory_space<hbm>> -> memref<80x32xbf16, #tpu.memory_space<hbm>>
      %dma_wait3A_206 = arith.constant 0 : i32
      %dma_wait3A_207 = arith.constant 0 : i32
      %dma_wait3A_208 = tpu.memref_slice %arg4[%dma_wait3A_206, %dma_wait3A_207] : memref<160000x32xbf16, #tpu.memory_space<hbm>> -> memref<80x32xbf16, #tpu.memory_space<hbm>>
      tpu.wait_dma2 semaphore(%arg18 : memref<!tpu.dma_semaphore, #tpu.memory_space<semaphore_mem>>) src(%dma_wait3A_208 : memref<80x32xbf16, #tpu.memory_space<hbm>>) dst(%arg12 : memref<80x32xbf16, #tpu.memory_space<vmem>>)
      %get3A_209 = arith.constant 80 : index
      %get3A_210 = tpu.vector_load %arg7[%get3A_209] {strides = array<i32>} : memref<160xi32, #tpu.memory_space<vmem>>, vector<16xi32>,
      %get3A_211 = vector.shape_cast %get3A_210 : vector<16xi32> to vector<16xi32>
      %ge3A_212 = vector.broadcast %mul3A_0 : i32 to vector<16xi32>
      %ge3A_213 = arith.cmpi sge, %get3A_211, %ge3A_212 : vector<16xi32>
      %add3A_214 = arith.constant 5000 : i32
      %add3A_215 = arith.addi %mul3A_0, %add3A_214 : i32
      %lt3A_216 = vector.broadcast %add3A_215 : i32 to vector<16xi32>
      %lt3A_217 = arith.cmpi slt, %get3A_211, %lt3A_216 : vector<16xi32>
      %and3A_218 = arith.andi %ge3A_213, %lt3A_217 : vector<16xi1>
      %sub3A_219 = vector.broadcast %mul3A_0 : i32 to vector<16xi32>
      %sub3A_220 = arith.subi %get3A_211, %sub3A_219 : vector<16xi32>
      %jit3A_221 = arith.constant 5100 : i32
      %broadcast_in_dim3A_222 = vector.broadcast %jit3A_221 : i32 to vector<16xi32>
      %select_n3A_223 = arith.select %and3A_218, %sub3A_220, %broadcast_in_dim3A_222 : vector<16xi1>, vector<16xi32>
      %swap3A_224 = arith.constant 0 : index
      %swap3A_225 = tpu.vector_load %arg9[%swap3A_224] {strides = array<i32>} : memref<80xi32, #tpu.memory_space<vmem>>, vector<16xi32>,
      %swap3A_226 = vector.shape_cast %swap3A_225 : vector<16xi32> to vector<16xi32>
      %swap3A_227 = vector.shape_cast %select_n3A_223 : vector<16xi32> to vector<16xi32>
      tpu.vector_store %arg9[%swap3A_224], %swap3A_227 {strides = array<i32>} : memref<80xi32, #tpu.memory_space<vmem>>, vector<16xi32>,
      %get3A_228 = arith.constant 96 : index
      %get3A_229 = tpu.vector_load %arg7[%get3A_228] {strides = array<i32>} : memref<160xi32, #tpu.memory_space<vmem>>, vector<16xi32>,
      %get3A_230 = vector.shape_cast %get3A_229 : vector<16xi32> to vector<16xi32>
      %ge3A_231 = vector.broadcast %mul3A_0 : i32 to vector<16xi32>
      %ge3A_232 = arith.cmpi sge, %get3A_230, %ge3A_231 : vector<16xi32>
      %add3A_233 = arith.constant 5000 : i32
      %add3A_234 = arith.addi %mul3A_0, %add3A_233 : i32
      %lt3A_235 = vector.broadcast %add3A_234 : i32 to vector<16xi32>
      %lt3A_236 = arith.cmpi slt, %get3A_230, %lt3A_235 : vector<16xi32>
      %and3A_237 = arith.andi %ge3A_232, %lt3A_236 : vector<16xi1>
      %sub3A_238 = vector.broadcast %mul3A_0 : i32 to vector<16xi32>
      %sub3A_239 = arith.subi %get3A_230, %sub3A_238 : vector<16xi32>
      %jit3A_240 = arith.constant 5100 : i32
      %broadcast_in_dim3A_241 = vector.broadcast %jit3A_240 : i32 to vector<16xi32>
      %select_n3A_242 = arith.select %and3A_237, %sub3A_239, %broadcast_in_dim3A_241 : vector<16xi1>, vector<16xi32>
      %swap3A_243 = arith.constant 16 : index
      %swap3A_244 = tpu.vector_load %arg9[%swap3A_243] {strides = array<i32>} : memref<80xi32, #tpu.memory_space<vmem>>, vector<16xi32>,
      %swap3A_245 = vector.shape_cast %swap3A_244 : vector<16xi32> to vector<16xi32>
      %swap3A_246 = vector.shape_cast %select_n3A_242 : vector<16xi32> to vector<16xi32>
      tpu.vector_store %arg9[%swap3A_243], %swap3A_246 {strides = array<i32>} : memref<80xi32, #tpu.memory_space<vmem>>, vector<16xi32>,
      %get3A_247 = arith.constant 112 : index
      %get3A_248 = tpu.vector_load %arg7[%get3A_247] {strides = array<i32>} : memref<160xi32, #tpu.memory_space<vmem>>, vector<16xi32>,
      %get3A_249 = vector.shape_cast %get3A_248 : vector<16xi32> to vector<16xi32>
      %ge3A_250 = vector.broadcast %mul3A_0 : i32 to vector<16xi32>
      %ge3A_251 = arith.cmpi sge, %get3A_249, %ge3A_250 : vector<16xi32>
      %add3A_252 = arith.constant 5000 : i32
      %add3A_253 = arith.addi %mul3A_0, %add3A_252 : i32
      %lt3A_254 = vector.broadcast %add3A_253 : i32 to vector<16xi32>
      %lt3A_255 = arith.cmpi slt, %get3A_249, %lt3A_254 : vector<16xi32>
      %and3A_256 = arith.andi %ge3A_251, %lt3A_255 : vector<16xi1>
      %sub3A_257 = vector.broadcast %mul3A_0 : i32 to vector<16xi32>
      %sub3A_258 = arith.subi %get3A_249, %sub3A_257 : vector<16xi32>
      %jit3A_259 = arith.constant 5100 : i32
      %broadcast_in_dim3A_260 = vector.broadcast %jit3A_259 : i32 to vector<16xi32>
      %select_n3A_261 = arith.select %and3A_256, %sub3A_258, %broadcast_in_dim3A_260 : vector<16xi1>, vector<16xi32>
      %swap3A_262 = arith.constant 32 : index
      %swap3A_263 = tpu.vector_load %arg9[%swap3A_262] {strides = array<i32>} : memref<80xi32, #tpu.memory_space<vmem>>, vector<16xi32>,
      %swap3A_264 = vector.shape_cast %swap3A_263 : vector<16xi32> to vector<16xi32>
      %swap3A_265 = vector.shape_cast %select_n3A_261 : vector<16xi32> to vector<16xi32>
      tpu.vector_store %arg9[%swap3A_262], %swap3A_265 {strides = array<i32>} : memref<80xi32, #tpu.memory_space<vmem>>, vector<16xi32>,
      %get3A_266 = arith.constant 128 : index
      %get3A_267 = tpu.vector_load %arg7[%get3A_266] {strides = array<i32>} : memref<160xi32, #tpu.memory_space<vmem>>, vector<16xi32>,
      %get3A_268 = vector.shape_cast %get3A_267 : vector<16xi32> to vector<16xi32>
      %ge3A_269 = vector.broadcast %mul3A_0 : i32 to vector<16xi32>
      %ge3A_270 = arith.cmpi sge, %get3A_268, %ge3A_269 : vector<16xi32>
      %add3A_271 = arith.constant 5000 : i32
      %add3A_272 = arith.addi %mul3A_0, %add3A_271 : i32
      %lt3A_273 = vector.broadcast %add3A_272 : i32 to vector<16xi32>
      %lt3A_274 = arith.cmpi slt, %get3A_268, %lt3A_273 : vector<16xi32>
      %and3A_275 = arith.andi %ge3A_270, %lt3A_274 : vector<16xi1>
      %sub3A_276 = vector.broadcast %mul3A_0 : i32 to vector<16xi32>
      %sub3A_277 = arith.subi %get3A_268, %sub3A_276 : vector<16xi32>
      %jit3A_278 = arith.constant 5100 : i32
      %broadcast_in_dim3A_279 = vector.broadcast %jit3A_278 : i32 to vector<16xi32>
      %select_n3A_280 = arith.select %and3A_275, %sub3A_277, %broadcast_in_dim3A_279 : vector<16xi1>, vector<16xi32>
      %swap3A_281 = arith.constant 48 : index
      %swap3A_282 = tpu.vector_load %arg9[%swap3A_281] {strides = array<i32>} : memref<80xi32, #tpu.memory_space<vmem>>, vector<16xi32>,
      %swap3A_283 = vector.shape_cast %swap3A_282 : vector<16xi32> to vector<16xi32>
      %swap3A_284 = vector.shape_cast %select_n3A_280 : vector<16xi32> to vector<16xi32>
      tpu.vector_store %arg9[%swap3A_281], %swap3A_284 {strides = array<i32>} : memref<80xi32, #tpu.memory_space<vmem>>, vector<16xi32>,
      %get3A_285 = arith.constant 144 : index
      %get3A_286 = tpu.vector_load %arg7[%get3A_285] {strides = array<i32>} : memref<160xi32, #tpu.memory_space<vmem>>, vector<16xi32>,
      %get3A_287 = vector.shape_cast %get3A_286 : vector<16xi32> to vector<16xi32>
      %ge3A_288 = vector.broadcast %mul3A_0 : i32 to vector<16xi32>
      %ge3A_289 = arith.cmpi sge, %get3A_287, %ge3A_288 : vector<16xi32>
      %add3A_290 = arith.constant 5000 : i32
      %add3A_291 = arith.addi %mul3A_0, %add3A_290 : i32
      %lt3A_292 = vector.broadcast %add3A_291 : i32 to vector<16xi32>
      %lt3A_293 = arith.cmpi slt, %get3A_287, %lt3A_292 : vector<16xi32>
      %and3A_294 = arith.andi %ge3A_289, %lt3A_293 : vector<16xi1>
      %sub3A_295 = vector.broadcast %mul3A_0 : i32 to vector<16xi32>
      %sub3A_296 = arith.subi %get3A_287, %sub3A_295 : vector<16xi32>
      %jit3A_297 = arith.constant 5100 : i32
      %broadcast_in_dim3A_298 = vector.broadcast %jit3A_297 : i32 to vector<16xi32>
      %select_n3A_299 = arith.select %and3A_294, %sub3A_296, %broadcast_in_dim3A_298 : vector<16xi1>, vector<16xi32>
      %swap3A_300 = arith.constant 64 : index
      %swap3A_301 = tpu.vector_load %arg9[%swap3A_300] {strides = array<i32>} : memref<80xi32, #tpu.memory_space<vmem>>, vector<16xi32>,
      %swap3A_302 = vector.shape_cast %swap3A_301 : vector<16xi32> to vector<16xi32>
      %swap3A_303 = vector.shape_cast %select_n3A_299 : vector<16xi32> to vector<16xi32>
      tpu.vector_store %arg9[%swap3A_300], %swap3A_303 {strides = array<i32>} : memref<80xi32, #tpu.memory_space<vmem>>, vector<16xi32>,
      "tpu.region"() ({
        %run_scoped3A = tpu.sem_alloc : memref<!tpu.dma_semaphore, #tpu.memory_space<semaphore_mem>>
        %dma_start3A_445 = arith.constant 0 : i32
        %dma_start3A_446 = arith.constant 0 : i32
        %dma_start3A_447 = tpu.memref_slice %arg11[%dma_start3A_445, %dma_start3A_446] : memref<160x256xf32, #tpu.memory_space<vmem>> -> memref<80x256xf32, #tpu.memory_space<vmem>>
        %dma_start3A_448 = arith.constant 0 : i32
        %dma_start3A_449 = arith.constant 0 : i32
        %dma_start3A_450 = tpu.memref_slice %arg14[%dma_start3A_448, %dma_start3A_449] : memref<5120x256xf32, #tpu.memory_space<vmem_shared>> -> memref<5120x256xf32, #tpu.memory_space<vmem_shared>>
        tpu.enqueue_indirect_dma source(%dma_start3A_447 : memref<80x256xf32, #tpu.memory_space<vmem>>) target(%dma_start3A_450 : memref<5120x256xf32, #tpu.memory_space<vmem_shared>>) offsets(%arg9 : memref<80xi32, #tpu.memory_space<vmem>>) semaphore(%run_scoped3A : memref<!tpu.dma_semaphore, #tpu.memory_space<semaphore_mem>>) {add = true}
        %dma_wait3A_451 = arith.constant 0 : i32
        %dma_wait3A_452 = arith.constant 0 : i32
        %dma_wait3A_453 = tpu.memref_slice %arg11[%dma_wait3A_451, %dma_wait3A_452] : memref<160x256xf32, #tpu.memory_space<vmem>> -> memref<80x256xf32, #tpu.memory_space<vmem>>
        %dma_wait3A_454 = arith.constant 0 : i32
        %dma_wait3A_455 = arith.constant 0 : i32
        %dma_wait3A_456 = tpu.memref_slice %arg14[%dma_wait3A_454, %dma_wait3A_455] : memref<5120x256xf32, #tpu.memory_space<vmem_shared>> -> memref<5120x256xf32, #tpu.memory_space<vmem_shared>>
        tpu.wait_indirect_dma semaphore(%run_scoped3A : memref<!tpu.dma_semaphore, #tpu.memory_space<semaphore_mem>>) src(%dma_wait3A_453 : memref<80x256xf32, #tpu.memory_space<vmem>>) dst(%dma_wait3A_456 : memref<5120x256xf32, #tpu.memory_space<vmem_shared>>)
        tpu.yield
      }) : () -> ()
      "tpu.region"() ({
        %run_scoped3A = tpu.sem_alloc : memref<!tpu.dma_semaphore, #tpu.memory_space<semaphore_mem>>
        %dma_start3A_445 = arith.constant 0 : i32
        %dma_start3A_446 = arith.constant 0 : i32
        %dma_start3A_447 = tpu.memref_slice %arg15[%dma_start3A_445, %dma_start3A_446] : memref<5120x32xbf16, #tpu.memory_space<vmem_shared>> -> memref<5120x32xbf16, #tpu.memory_space<vmem_shared>>
        tpu.enqueue_indirect_dma source(%arg12 : memref<80x32xbf16, #tpu.memory_space<vmem>>) target(%dma_start3A_447 : memref<5120x32xbf16, #tpu.memory_space<vmem_shared>>) offsets(%arg9 : memref<80xi32, #tpu.memory_space<vmem>>) semaphore(%run_scoped3A : memref<!tpu.dma_semaphore, #tpu.memory_space<semaphore_mem>>) {add = true}
        %dma_wait3A_448 = arith.constant 0 : i32
        %dma_wait3A_449 = arith.constant 0 : i32
        %dma_wait3A_450 = tpu.memref_slice %arg15[%dma_wait3A_448, %dma_wait3A_449] : memref<5120x32xbf16, #tpu.memory_space<vmem_shared>> -> memref<5120x32xbf16, #tpu.memory_space<vmem_shared>>
        tpu.wait_indirect_dma semaphore(%run_scoped3A : memref<!tpu.dma_semaphore, #tpu.memory_space<semaphore_mem>>) src(%arg12 : memref<80x32xbf16, #tpu.memory_space<vmem>>) dst(%dma_wait3A_450 : memref<5120x32xbf16, #tpu.memory_space<vmem_shared>>)
        tpu.yield
      }) : () -> ()
      %mul3A_304 = arith.constant 2 : i32
      %mul3A_305 = arith.muli %mul3A_304, %scan3A_164 : i32
      %add3A_306 = arith.constant 2 : i32
      %add3A_307 = arith.addi %mul3A_305, %add3A_306 : i32
      %mul3A_308 = arith.constant 125 : i32
      %mul3A_309 = arith.muli %arg1, %mul3A_308 : i32
      %add3A_310 = arith.addi %mul3A_309, %add3A_307 : i32
      %mul3A_311 = arith.constant 2 : i32
      %mul3A_312 = arith.muli %add3A_310, %mul3A_311 : i32
      %mul3A_313 = arith.constant 80 : i32
      %mul3A_314 = arith.muli %mul3A_312, %mul3A_313 : i32
      "tpu.region"() ({
        %run_scoped3A = tpu.sem_alloc : memref<!tpu.dma_semaphore, #tpu.memory_space<semaphore_mem>>
        %dma_start3A_445 = tpu.memref_slice %arg3[%mul3A_314] : memref<320000xi32, #tpu.memory_space<hbm>> -> memref<160xi32, #tpu.memory_space<hbm>>
        %dma_start3A_446 = tpu.memref_slice %arg3[%mul3A_314] : memref<320000xi32, #tpu.memory_space<hbm>> -> memref<160xi32, #tpu.memory_space<hbm>>
        tpu.enqueue_dma source(%dma_start3A_446 : memref<160xi32, #tpu.memory_space<hbm>>) target(%arg7 : memref<160xi32, #tpu.memory_space<vmem>>) target_semaphore(%run_scoped3A : memref<!tpu.dma_semaphore, #tpu.memory_space<semaphore_mem>>)
        %dma_wait3A_447 = tpu.memref_slice %arg3[%mul3A_314] : memref<320000xi32, #tpu.memory_space<hbm>> -> memref<160xi32, #tpu.memory_space<hbm>>
        %dma_wait3A_448 = tpu.memref_slice %arg3[%mul3A_314] : memref<320000xi32, #tpu.memory_space<hbm>> -> memref<160xi32, #tpu.memory_space<hbm>>
        tpu.wait_dma2 semaphore(%run_scoped3A : memref<!tpu.dma_semaphore, #tpu.memory_space<semaphore_mem>>) src(%dma_wait3A_448 : memref<160xi32, #tpu.memory_space<hbm>>) dst(%arg7 : memref<160xi32, #tpu.memory_space<vmem>>)
        tpu.yield
      }) : () -> ()
      %mul3A_315 = arith.constant 10000 : i32
      %mul3A_316 = arith.muli %arg1, %mul3A_315 : i32
      %mul3A_317 = arith.constant 80 : i32
      %mul3A_318 = arith.muli %add3A_307, %mul3A_317 : i32
      %add3A_319 = arith.addi %mul3A_316, %mul3A_318 : i32
      %dma_start3A_320 = arith.constant 0 : i32
      %dma_start3A_321 = tpu.memref_slice %arg4[%add3A_319, %dma_start3A_320] : memref<160000x32xbf16, #tpu.memory_space<hbm>> -> memref<80x32xbf16, #tpu.memory_space<hbm>>
      %dma_start3A_322 = arith.constant 0 : i32
      %dma_start3A_323 = tpu.memref_slice %arg4[%add3A_319, %dma_start3A_322] : memref<160000x32xbf16, #tpu.memory_space<hbm>> -> memref<80x32xbf16, #tpu.memory_space<hbm>>
      tpu.enqueue_dma source(%dma_start3A_323 : memref<80x32xbf16, #tpu.memory_space<hbm>>) target(%arg12 : memref<80x32xbf16, #tpu.memory_space<vmem>>) target_semaphore(%arg18 : memref<!tpu.dma_semaphore, #tpu.memory_space<semaphore_mem>>)
      %dma_start3A_324 = arith.constant 0 : i32
      %dma_start3A_325 = arith.constant 0 : i32
      %dma_start3A_326 = tpu.memref_slice %arg11[%dma_start3A_324, %dma_start3A_325] : memref<160x256xf32, #tpu.memory_space<vmem>> -> memref<80x256xf32, #tpu.memory_space<vmem>>
      %dma_start3A_327 = arith.constant 0 : i32
      %dma_start3A_328 = tpu.memref_slice %arg7[%dma_start3A_327] : memref<160xi32, #tpu.memory_space<vmem>> -> memref<80xi32, #tpu.memory_space<vmem>>
      %dma_start3A_329 = arith.constant 0 : i32
      %dma_start3A_330 = arith.constant 0 : i32
      %dma_start3A_331 = tpu.memref_slice %arg2[%dma_start3A_329, %dma_start3A_330] : memref<10000x256xf32, #tpu.memory_space<hbm>> -> memref<10000x256xf32, #tpu.memory_space<hbm>>
      tpu.enqueue_indirect_dma source(%dma_start3A_331 : memref<10000x256xf32, #tpu.memory_space<hbm>>) target(%dma_start3A_326 : memref<80x256xf32, #tpu.memory_space<vmem>>) offsets(%dma_start3A_328 : memref<80xi32, #tpu.memory_space<vmem>>) semaphore(%arg16 : memref<!tpu.dma_semaphore, #tpu.memory_space<semaphore_mem>>)
      %dma_wait3A_332 = arith.constant 80 : i32
      %dma_wait3A_333 = arith.constant 0 : i32
      %dma_wait3A_334 = tpu.memref_slice %arg11[%dma_wait3A_332, %dma_wait3A_333] : memref<160x256xf32, #tpu.memory_space<vmem>> -> memref<80x256xf32, #tpu.memory_space<vmem>>
      %dma_wait3A_335 = arith.constant 0 : i32
      %dma_wait3A_336 = tpu.memref_slice %arg8[%dma_wait3A_335] : memref<160xi32, #tpu.memory_space<vmem>> -> memref<80xi32, #tpu.memory_space<vmem>>
      %dma_wait3A_337 = arith.constant 0 : i32
      %dma_wait3A_338 = arith.constant 0 : i32
      %dma_wait3A_339 = tpu.memref_slice %arg2[%dma_wait3A_337, %dma_wait3A_338] : memref<10000x256xf32, #tpu.memory_space<hbm>> -> memref<10000x256xf32, #tpu.memory_space<hbm>>
      tpu.wait_indirect_dma semaphore(%arg17 : memref<!tpu.dma_semaphore, #tpu.memory_space<semaphore_mem>>) src(%dma_wait3A_339 : memref<10000x256xf32, #tpu.memory_space<hbm>>) dst(%dma_wait3A_334 : memref<80x256xf32, #tpu.memory_space<vmem>>)
      %mul3A_340 = arith.constant 2 : i32
      %mul3A_341 = arith.muli %mul3A_340, %scan3A_164 : i32
      %add3A_342 = arith.constant 1 : i32
      %add3A_343 = arith.addi %mul3A_341, %add3A_342 : i32
      %dma_wait3A_344 = arith.constant 0 : i32
      %dma_wait3A_345 = arith.constant 0 : i32
      %dma_wait3A_346 = tpu.memref_slice %arg4[%dma_wait3A_344, %dma_wait3A_345] : memref<160000x32xbf16, #tpu.memory_space<hbm>> -> memref<80x32xbf16, #tpu.memory_space<hbm>>
      %dma_wait3A_347 = arith.constant 0 : i32
      %dma_wait3A_348 = arith.constant 0 : i32
      %dma_wait3A_349 = tpu.memref_slice %arg4[%dma_wait3A_347, %dma_wait3A_348] : memref<160000x32xbf16, #tpu.memory_space<hbm>> -> memref<80x32xbf16, #tpu.memory_space<hbm>>
      tpu.wait_dma2 semaphore(%arg19 : memref<!tpu.dma_semaphore, #tpu.memory_space<semaphore_mem>>) src(%dma_wait3A_349 : memref<80x32xbf16, #tpu.memory_space<hbm>>) dst(%arg13 : memref<80x32xbf16, #tpu.memory_space<vmem>>)
      %get3A_350 = arith.constant 80 : index
      %get3A_351 = tpu.vector_load %arg8[%get3A_350] {strides = array<i32>} : memref<160xi32, #tpu.memory_space<vmem>>, vector<16xi32>,
      %get3A_352 = vector.shape_cast %get3A_351 : vector<16xi32> to vector<16xi32>
      %ge3A_353 = vector.broadcast %mul3A_0 : i32 to vector<16xi32>
      %ge3A_354 = arith.cmpi sge, %get3A_352, %ge3A_353 : vector<16xi32>
      %add3A_355 = arith.constant 5000 : i32
      %add3A_356 = arith.addi %mul3A_0, %add3A_355 : i32
      %lt3A_357 = vector.broadcast %add3A_356 : i32 to vector<16xi32>
      %lt3A_358 = arith.cmpi slt, %get3A_352, %lt3A_357 : vector<16xi32>
      %and3A_359 = arith.andi %ge3A_354, %lt3A_358 : vector<16xi1>
      %sub3A_360 = vector.broadcast %mul3A_0 : i32 to vector<16xi32>
      %sub3A_361 = arith.subi %get3A_352, %sub3A_360 : vector<16xi32>
      %jit3A_362 = arith.constant 5100 : i32
      %broadcast_in_dim3A_363 = vector.broadcast %jit3A_362 : i32 to vector<16xi32>
      %select_n3A_364 = arith.select %and3A_359, %sub3A_361, %broadcast_in_dim3A_363 : vector<16xi1>, vector<16xi32>
      %swap3A_365 = arith.constant 0 : index
      %swap3A_366 = tpu.vector_load %arg10[%swap3A_365] {strides = array<i32>} : memref<80xi32, #tpu.memory_space<vmem>>, vector<16xi32>,
      %swap3A_367 = vector.shape_cast %swap3A_366 : vector<16xi32> to vector<16xi32>
      %swap3A_368 = vector.shape_cast %select_n3A_364 : vector<16xi32> to vector<16xi32>
      tpu.vector_store %arg10[%swap3A_365], %swap3A_368 {strides = array<i32>} : memref<80xi32, #tpu.memory_space<vmem>>, vector<16xi32>,
      %get3A_369 = arith.constant 96 : index
      %get3A_370 = tpu.vector_load %arg8[%get3A_369] {strides = array<i32>} : memref<160xi32, #tpu.memory_space<vmem>>, vector<16xi32>,
      %get3A_371 = vector.shape_cast %get3A_370 : vector<16xi32> to vector<16xi32>
      %ge3A_372 = vector.broadcast %mul3A_0 : i32 to vector<16xi32>
      %ge3A_373 = arith.cmpi sge, %get3A_371, %ge3A_372 : vector<16xi32>
      %add3A_374 = arith.constant 5000 : i32
      %add3A_375 = arith.addi %mul3A_0, %add3A_374 : i32
      %lt3A_376 = vector.broadcast %add3A_375 : i32 to vector<16xi32>
      %lt3A_377 = arith.cmpi slt, %get3A_371, %lt3A_376 : vector<16xi32>
      %and3A_378 = arith.andi %ge3A_373, %lt3A_377 : vector<16xi1>
      %sub3A_379 = vector.broadcast %mul3A_0 : i32 to vector<16xi32>
      %sub3A_380 = arith.subi %get3A_371, %sub3A_379 : vector<16xi32>
      %jit3A_381 = arith.constant 5100 : i32
      %broadcast_in_dim3A_382 = vector.broadcast %jit3A_381 : i32 to vector<16xi32>
      %select_n3A_383 = arith.select %and3A_378, %sub3A_380, %broadcast_in_dim3A_382 : vector<16xi1>, vector<16xi32>
      %swap3A_384 = arith.constant 16 : index
      %swap3A_385 = tpu.vector_load %arg10[%swap3A_384] {strides = array<i32>} : memref<80xi32, #tpu.memory_space<vmem>>, vector<16xi32>,
      %swap3A_386 = vector.shape_cast %swap3A_385 : vector<16xi32> to vector<16xi32>
      %swap3A_387 = vector.shape_cast %select_n3A_383 : vector<16xi32> to vector<16xi32>
      tpu.vector_store %arg10[%swap3A_384], %swap3A_387 {strides = array<i32>} : memref<80xi32, #tpu.memory_space<vmem>>, vector<16xi32>,
      %get3A_388 = arith.constant 112 : index
      %get3A_389 = tpu.vector_load %arg8[%get3A_388] {strides = array<i32>} : memref<160xi32, #tpu.memory_space<vmem>>, vector<16xi32>,
      %get3A_390 = vector.shape_cast %get3A_389 : vector<16xi32> to vector<16xi32>
      %ge3A_391 = vector.broadcast %mul3A_0 : i32 to vector<16xi32>
      %ge3A_392 = arith.cmpi sge, %get3A_390, %ge3A_391 : vector<16xi32>
      %add3A_393 = arith.constant 5000 : i32
      %add3A_394 = arith.addi %mul3A_0, %add3A_393 : i32
      %lt3A_395 = vector.broadcast %add3A_394 : i32 to vector<16xi32>
      %lt3A_396 = arith.cmpi slt, %get3A_390, %lt3A_395 : vector<16xi32>
      %and3A_397 = arith.andi %ge3A_392, %lt3A_396 : vector<16xi1>
      %sub3A_398 = vector.broadcast %mul3A_0 : i32 to vector<16xi32>
      %sub3A_399 = arith.subi %get3A_390, %sub3A_398 : vector<16xi32>
      %jit3A_400 = arith.constant 5100 : i32
      %broadcast_in_dim3A_401 = vector.broadcast %jit3A_400 : i32 to vector<16xi32>
      %select_n3A_402 = arith.select %and3A_397, %sub3A_399, %broadcast_in_dim3A_401 : vector<16xi1>, vector<16xi32>
      %swap3A_403 = arith.constant 32 : index
      %swap3A_404 = tpu.vector_load %arg10[%swap3A_403] {strides = array<i32>} : memref<80xi32, #tpu.memory_space<vmem>>, vector<16xi32>,
      %swap3A_405 = vector.shape_cast %swap3A_404 : vector<16xi32> to vector<16xi32>
      %swap3A_406 = vector.shape_cast %select_n3A_402 : vector<16xi32> to vector<16xi32>
      tpu.vector_store %arg10[%swap3A_403], %swap3A_406 {strides = array<i32>} : memref<80xi32, #tpu.memory_space<vmem>>, vector<16xi32>,
      %get3A_407 = arith.constant 128 : index
      %get3A_408 = tpu.vector_load %arg8[%get3A_407] {strides = array<i32>} : memref<160xi32, #tpu.memory_space<vmem>>, vector<16xi32>,
      %get3A_409 = vector.shape_cast %get3A_408 : vector<16xi32> to vector<16xi32>
      %ge3A_410 = vector.broadcast %mul3A_0 : i32 to vector<16xi32>
      %ge3A_411 = arith.cmpi sge, %get3A_409, %ge3A_410 : vector<16xi32>
      %add3A_412 = arith.constant 5000 : i32
      %add3A_413 = arith.addi %mul3A_0, %add3A_412 : i32
      %lt3A_414 = vector.broadcast %add3A_413 : i32 to vector<16xi32>
      %lt3A_415 = arith.cmpi slt, %get3A_409, %lt3A_414 : vector<16xi32>
      %and3A_416 = arith.andi %ge3A_411, %lt3A_415 : vector<16xi1>
      %sub3A_417 = vector.broadcast %mul3A_0 : i32 to vector<16xi32>
      %sub3A_418 = arith.subi %get3A_409, %sub3A_417 : vector<16xi32>
      %jit3A_419 = arith.constant 5100 : i32
      %broadcast_in_dim3A_420 = vector.broadcast %jit3A_419 : i32 to vector<16xi32>
      %select_n3A_421 = arith.select %and3A_416, %sub3A_418, %broadcast_in_dim3A_420 : vector<16xi1>, vector<16xi32>
      %swap3A_422 = arith.constant 48 : index
      %swap3A_423 = tpu.vector_load %arg10[%swap3A_422] {strides = array<i32>} : memref<80xi32, #tpu.memory_space<vmem>>, vector<16xi32>,
      %swap3A_424 = vector.shape_cast %swap3A_423 : vector<16xi32> to vector<16xi32>
      %swap3A_425 = vector.shape_cast %select_n3A_421 : vector<16xi32> to vector<16xi32>
      tpu.vector_store %arg10[%swap3A_422], %swap3A_425 {strides = array<i32>} : memref<80xi32, #tpu.memory_space<vmem>>, vector<16xi32>,
      %get3A_426 = arith.constant 144 : index
      %get3A_427 = tpu.vector_load %arg8[%get3A_426] {strides = array<i32>} : memref<160xi32, #tpu.memory_space<vmem>>, vector<16xi32>,
      %get3A_428 = vector.shape_cast %get3A_427 : vector<16xi32> to vector<16xi32>
      %ge3A_429 = vector.broadcast %mul3A_0 : i32 to vector<16xi32>
      %ge3A_430 = arith.cmpi sge, %get3A_428, %ge3A_429 : vector<16xi32>
      %add3A_431 = arith.constant 5000 : i32
      %add3A_432 = arith.addi %mul3A_0, %add3A_431 : i32
      %lt3A_433 = vector.broadcast %add3A_432 : i32 to vector<16xi32>
      %lt3A_434 = arith.cmpi slt, %get3A_428, %lt3A_433 : vector<16xi32>
      %and3A_435 = arith.andi %ge3A_430, %lt3A_434 : vector<16xi1>
      %sub3A_436 = vector.broadcast %mul3A_0 : i32 to vector<16xi32>
      %sub3A_437 = arith.subi %get3A_428, %sub3A_436 : vector<16xi32>
      %jit3A_438 = arith.constant 5100 : i32
      %broadcast_in_dim3A_439 = vector.broadcast %jit3A_438 : i32 to vector<16xi32>
      %select_n3A_440 = arith.select %and3A_435, %sub3A_437, %broadcast_in_dim3A_439 : vector<16xi1>, vector<16xi32>
      %swap3A_441 = arith.constant 64 : index
      %swap3A_442 = tpu.vector_load %arg10[%swap3A_441] {strides = array<i32>} : memref<80xi32, #tpu.memory_space<vmem>>, vector<16xi32>,
      %swap3A_443 = vector.shape_cast %swap3A_442 : vector<16xi32> to vector<16xi32>
      %swap3A_444 = vector.shape_cast %select_n3A_440 : vector<16xi32> to vector<16xi32>
      tpu.vector_store %arg10[%swap3A_441], %swap3A_444 {strides = array<i32>} : memref<80xi32, #tpu.memory_space<vmem>>, vector<16xi32>,
      "tpu.region"() ({
        %run_scoped3A = tpu.sem_alloc : memref<!tpu.dma_semaphore, #tpu.memory_space<semaphore_mem>>
        %dma_start3A_445 = arith.constant 80 : i32
        %dma_start3A_446 = arith.constant 0 : i32
        %dma_start3A_447 = tpu.memref_slice %arg11[%dma_start3A_445, %dma_start3A_446] : memref<160x256xf32, #tpu.memory_space<vmem>> -> memref<80x256xf32, #tpu.memory_space<vmem>>
        %dma_start3A_448 = arith.constant 0 : i32
        %dma_start3A_449 = arith.constant 0 : i32
        %dma_start3A_450 = tpu.memref_slice %arg14[%dma_start3A_448, %dma_start3A_449] : memref<5120x256xf32, #tpu.memory_space<vmem_shared>> -> memref<5120x256xf32, #tpu.memory_space<vmem_shared>>
        tpu.enqueue_indirect_dma source(%dma_start3A_447 : memref<80x256xf32, #tpu.memory_space<vmem>>) target(%dma_start3A_450 : memref<5120x256xf32, #tpu.memory_space<vmem_shared>>) offsets(%arg10 : memref<80xi32, #tpu.memory_space<vmem>>) semaphore(%run_scoped3A : memref<!tpu.dma_semaphore, #tpu.memory_space<semaphore_mem>>) {add = true}
        %dma_wait3A_451 = arith.constant 80 : i32
        %dma_wait3A_452 = arith.constant 0 : i32
        %dma_wait3A_453 = tpu.memref_slice %arg11[%dma_wait3A_451, %dma_wait3A_452] : memref<160x256xf32, #tpu.memory_space<vmem>> -> memref<80x256xf32, #tpu.memory_space<vmem>>
        %dma_wait3A_454 = arith.constant 0 : i32
        %dma_wait3A_455 = arith.constant 0 : i32
        %dma_wait3A_456 = tpu.memref_slice %arg14[%dma_wait3A_454, %dma_wait3A_455] : memref<5120x256xf32, #tpu.memory_space<vmem_shared>> -> memref<5120x256xf32, #tpu.memory_space<vmem_shared>>
        tpu.wait_indirect_dma semaphore(%run_scoped3A : memref<!tpu.dma_semaphore, #tpu.memory_space<semaphore_mem>>) src(%dma_wait3A_453 : memref<80x256xf32, #tpu.memory_space<vmem>>) dst(%dma_wait3A_456 : memref<5120x256xf32, #tpu.memory_space<vmem_shared>>)
        tpu.yield
      }) : () -> ()
      "tpu.region"() ({
        %run_scoped3A = tpu.sem_alloc : memref<!tpu.dma_semaphore, #tpu.memory_space<semaphore_mem>>
        %dma_start3A_445 = arith.constant 0 : i32
        %dma_start3A_446 = arith.constant 0 : i32
        %dma_start3A_447 = tpu.memref_slice %arg15[%dma_start3A_445, %dma_start3A_446] : memref<5120x32xbf16, #tpu.memory_space<vmem_shared>> -> memref<5120x32xbf16, #tpu.memory_space<vmem_shared>>
        tpu.enqueue_indirect_dma source(%arg13 : memref<80x32xbf16, #tpu.memory_space<vmem>>) target(%dma_start3A_447 : memref<5120x32xbf16, #tpu.memory_space<vmem_shared>>) offsets(%arg10 : memref<80xi32, #tpu.memory_space<vmem>>) semaphore(%run_scoped3A : memref<!tpu.dma_semaphore, #tpu.memory_space<semaphore_mem>>) {add = true}
        %dma_wait3A_448 = arith.constant 0 : i32
        %dma_wait3A_449 = arith.constant 0 : i32
        %dma_wait3A_450 = tpu.memref_slice %arg15[%dma_wait3A_448, %dma_wait3A_449] : memref<5120x32xbf16, #tpu.memory_space<vmem_shared>> -> memref<5120x32xbf16, #tpu.memory_space<vmem_shared>>
        tpu.wait_indirect_dma semaphore(%run_scoped3A : memref<!tpu.dma_semaphore, #tpu.memory_space<semaphore_mem>>) src(%arg13 : memref<80x32xbf16, #tpu.memory_space<vmem>>) dst(%dma_wait3A_450 : memref<5120x32xbf16, #tpu.memory_space<vmem_shared>>)
        tpu.yield
      }) : () -> ()
    }
    %scan3A_56 = arith.constant 62 : i32
    %dma_wait3A = arith.constant 0 : i32
    %dma_wait3A_57 = arith.constant 0 : i32
    %dma_wait3A_58 = tpu.memref_slice %arg11[%dma_wait3A, %dma_wait3A_57] : memref<160x256xf32, #tpu.memory_space<vmem>> -> memref<80x256xf32, #tpu.memory_space<vmem>>
    %dma_wait3A_59 = arith.constant 0 : i32
    %dma_wait3A_60 = tpu.memref_slice %arg7[%dma_wait3A_59] : memref<160xi32, #tpu.memory_space<vmem>> -> memref<80xi32, #tpu.memory_space<vmem>>
    %dma_wait3A_61 = arith.constant 0 : i32
    %dma_wait3A_62 = arith.constant 0 : i32
    %dma_wait3A_63 = tpu.memref_slice %arg2[%dma_wait3A_61, %dma_wait3A_62] : memref<10000x256xf32, #tpu.memory_space<hbm>> -> memref<10000x256xf32, #tpu.memory_space<hbm>>
    tpu.wait_indirect_dma semaphore(%arg16 : memref<!tpu.dma_semaphore, #tpu.memory_space<semaphore_mem>>) src(%dma_wait3A_63 : memref<10000x256xf32, #tpu.memory_space<hbm>>) dst(%dma_wait3A_58 : memref<80x256xf32, #tpu.memory_space<vmem>>)
    %dma_wait3A_64 = arith.constant 0 : i32
    %dma_wait3A_65 = arith.constant 0 : i32
    %dma_wait3A_66 = tpu.memref_slice %arg4[%dma_wait3A_64, %dma_wait3A_65] : memref<160000x32xbf16, #tpu.memory_space<hbm>> -> memref<80x32xbf16, #tpu.memory_space<hbm>>
    %dma_wait3A_67 = arith.constant 0 : i32
    %dma_wait3A_68 = arith.constant 0 : i32
    %dma_wait3A_69 = tpu.memref_slice %arg4[%dma_wait3A_67, %dma_wait3A_68] : memref<160000x32xbf16, #tpu.memory_space<hbm>> -> memref<80x32xbf16, #tpu.memory_space<hbm>>
    tpu.wait_dma2 semaphore(%arg18 : memref<!tpu.dma_semaphore, #tpu.memory_space<semaphore_mem>>) src(%dma_wait3A_69 : memref<80x32xbf16, #tpu.memory_space<hbm>>) dst(%arg12 : memref<80x32xbf16, #tpu.memory_space<vmem>>)
    %get3A = arith.constant 80 : index
    %get3A_70 = tpu.vector_load %arg7[%get3A] {strides = array<i32>} : memref<160xi32, #tpu.memory_space<vmem>>, vector<16xi32>,
    %get3A_71 = vector.shape_cast %get3A_70 : vector<16xi32> to vector<16xi32>
    %ge3A = vector.broadcast %mul3A_0 : i32 to vector<16xi32>
    %ge3A_72 = arith.cmpi sge, %get3A_71, %ge3A : vector<16xi32>
    %add3A_73 = arith.constant 5000 : i32
    %add3A_74 = arith.addi %mul3A_0, %add3A_73 : i32
    %lt3A = vector.broadcast %add3A_74 : i32 to vector<16xi32>
    %lt3A_75 = arith.cmpi slt, %get3A_71, %lt3A : vector<16xi32>
    %and3A = arith.andi %ge3A_72, %lt3A_75 : vector<16xi1>
    %sub3A = vector.broadcast %mul3A_0 : i32 to vector<16xi32>
    %sub3A_76 = arith.subi %get3A_71, %sub3A : vector<16xi32>
    %jit3A = arith.constant 5100 : i32
    %broadcast_in_dim3A_77 = vector.broadcast %jit3A : i32 to vector<16xi32>
    %select_n3A = arith.select %and3A, %sub3A_76, %broadcast_in_dim3A_77 : vector<16xi1>, vector<16xi32>
    %swap3A = arith.constant 0 : index
    %swap3A_78 = tpu.vector_load %arg9[%swap3A] {strides = array<i32>} : memref<80xi32, #tpu.memory_space<vmem>>, vector<16xi32>,
    %swap3A_79 = vector.shape_cast %swap3A_78 : vector<16xi32> to vector<16xi32>
    %swap3A_80 = vector.shape_cast %select_n3A : vector<16xi32> to vector<16xi32>
    tpu.vector_store %arg9[%swap3A], %swap3A_80 {strides = array<i32>} : memref<80xi32, #tpu.memory_space<vmem>>, vector<16xi32>,
    %get3A_81 = arith.constant 96 : index
    %get3A_82 = tpu.vector_load %arg7[%get3A_81] {strides = array<i32>} : memref<160xi32, #tpu.memory_space<vmem>>, vector<16xi32>,
    %get3A_83 = vector.shape_cast %get3A_82 : vector<16xi32> to vector<16xi32>
    %ge3A_84 = vector.broadcast %mul3A_0 : i32 to vector<16xi32>
    %ge3A_85 = arith.cmpi sge, %get3A_83, %ge3A_84 : vector<16xi32>
    %add3A_86 = arith.constant 5000 : i32
    %add3A_87 = arith.addi %mul3A_0, %add3A_86 : i32
    %lt3A_88 = vector.broadcast %add3A_87 : i32 to vector<16xi32>
    %lt3A_89 = arith.cmpi slt, %get3A_83, %lt3A_88 : vector<16xi32>
    %and3A_90 = arith.andi %ge3A_85, %lt3A_89 : vector<16xi1>
    %sub3A_91 = vector.broadcast %mul3A_0 : i32 to vector<16xi32>
    %sub3A_92 = arith.subi %get3A_83, %sub3A_91 : vector<16xi32>
    %jit3A_93 = arith.constant 5100 : i32
    %broadcast_in_dim3A_94 = vector.broadcast %jit3A_93 : i32 to vector<16xi32>
    %select_n3A_95 = arith.select %and3A_90, %sub3A_92, %broadcast_in_dim3A_94 : vector<16xi1>, vector<16xi32>
    %swap3A_96 = arith.constant 16 : index
    %swap3A_97 = tpu.vector_load %arg9[%swap3A_96] {strides = array<i32>} : memref<80xi32, #tpu.memory_space<vmem>>, vector<16xi32>,
    %swap3A_98 = vector.shape_cast %swap3A_97 : vector<16xi32> to vector<16xi32>
    %swap3A_99 = vector.shape_cast %select_n3A_95 : vector<16xi32> to vector<16xi32>
    tpu.vector_store %arg9[%swap3A_96], %swap3A_99 {strides = array<i32>} : memref<80xi32, #tpu.memory_space<vmem>>, vector<16xi32>,
    %get3A_100 = arith.constant 112 : index
    %get3A_101 = tpu.vector_load %arg7[%get3A_100] {strides = array<i32>} : memref<160xi32, #tpu.memory_space<vmem>>, vector<16xi32>,
    %get3A_102 = vector.shape_cast %get3A_101 : vector<16xi32> to vector<16xi32>
    %ge3A_103 = vector.broadcast %mul3A_0 : i32 to vector<16xi32>
    %ge3A_104 = arith.cmpi sge, %get3A_102, %ge3A_103 : vector<16xi32>
    %add3A_105 = arith.constant 5000 : i32
    %add3A_106 = arith.addi %mul3A_0, %add3A_105 : i32
    %lt3A_107 = vector.broadcast %add3A_106 : i32 to vector<16xi32>
    %lt3A_108 = arith.cmpi slt, %get3A_102, %lt3A_107 : vector<16xi32>
    %and3A_109 = arith.andi %ge3A_104, %lt3A_108 : vector<16xi1>
    %sub3A_110 = vector.broadcast %mul3A_0 : i32 to vector<16xi32>
    %sub3A_111 = arith.subi %get3A_102, %sub3A_110 : vector<16xi32>
    %jit3A_112 = arith.constant 5100 : i32
    %broadcast_in_dim3A_113 = vector.broadcast %jit3A_112 : i32 to vector<16xi32>
    %select_n3A_114 = arith.select %and3A_109, %sub3A_111, %broadcast_in_dim3A_113 : vector<16xi1>, vector<16xi32>
    %swap3A_115 = arith.constant 32 : index
    %swap3A_116 = tpu.vector_load %arg9[%swap3A_115] {strides = array<i32>} : memref<80xi32, #tpu.memory_space<vmem>>, vector<16xi32>,
    %swap3A_117 = vector.shape_cast %swap3A_116 : vector<16xi32> to vector<16xi32>
    %swap3A_118 = vector.shape_cast %select_n3A_114 : vector<16xi32> to vector<16xi32>
    tpu.vector_store %arg9[%swap3A_115], %swap3A_118 {strides = array<i32>} : memref<80xi32, #tpu.memory_space<vmem>>, vector<16xi32>,
    %get3A_119 = arith.constant 128 : index
    %get3A_120 = tpu.vector_load %arg7[%get3A_119] {strides = array<i32>} : memref<160xi32, #tpu.memory_space<vmem>>, vector<16xi32>,
    %get3A_121 = vector.shape_cast %get3A_120 : vector<16xi32> to vector<16xi32>
    %ge3A_122 = vector.broadcast %mul3A_0 : i32 to vector<16xi32>
    %ge3A_123 = arith.cmpi sge, %get3A_121, %ge3A_122 : vector<16xi32>
    %add3A_124 = arith.constant 5000 : i32
    %add3A_125 = arith.addi %mul3A_0, %add3A_124 : i32
    %lt3A_126 = vector.broadcast %add3A_125 : i32 to vector<16xi32>
    %lt3A_127 = arith.cmpi slt, %get3A_121, %lt3A_126 : vector<16xi32>
    %and3A_128 = arith.andi %ge3A_123, %lt3A_127 : vector<16xi1>
    %sub3A_129 = vector.broadcast %mul3A_0 : i32 to vector<16xi32>
    %sub3A_130 = arith.subi %get3A_121, %sub3A_129 : vector<16xi32>
    %jit3A_131 = arith.constant 5100 : i32
    %broadcast_in_dim3A_132 = vector.broadcast %jit3A_131 : i32 to vector<16xi32>
    %select_n3A_133 = arith.select %and3A_128, %sub3A_130, %broadcast_in_dim3A_132 : vector<16xi1>, vector<16xi32>
    %swap3A_134 = arith.constant 48 : index
    %swap3A_135 = tpu.vector_load %arg9[%swap3A_134] {strides = array<i32>} : memref<80xi32, #tpu.memory_space<vmem>>, vector<16xi32>,
    %swap3A_136 = vector.shape_cast %swap3A_135 : vector<16xi32> to vector<16xi32>
    %swap3A_137 = vector.shape_cast %select_n3A_133 : vector<16xi32> to vector<16xi32>
    tpu.vector_store %arg9[%swap3A_134], %swap3A_137 {strides = array<i32>} : memref<80xi32, #tpu.memory_space<vmem>>, vector<16xi32>,
    %get3A_138 = arith.constant 144 : index
    %get3A_139 = tpu.vector_load %arg7[%get3A_138] {strides = array<i32>} : memref<160xi32, #tpu.memory_space<vmem>>, vector<16xi32>,
    %get3A_140 = vector.shape_cast %get3A_139 : vector<16xi32> to vector<16xi32>
    %ge3A_141 = vector.broadcast %mul3A_0 : i32 to vector<16xi32>
    %ge3A_142 = arith.cmpi sge, %get3A_140, %ge3A_141 : vector<16xi32>
    %add3A_143 = arith.constant 5000 : i32
    %add3A_144 = arith.addi %mul3A_0, %add3A_143 : i32
    %lt3A_145 = vector.broadcast %add3A_144 : i32 to vector<16xi32>
    %lt3A_146 = arith.cmpi slt, %get3A_140, %lt3A_145 : vector<16xi32>
    %and3A_147 = arith.andi %ge3A_142, %lt3A_146 : vector<16xi1>
    %sub3A_148 = vector.broadcast %mul3A_0 : i32 to vector<16xi32>
    %sub3A_149 = arith.subi %get3A_140, %sub3A_148 : vector<16xi32>
    %jit3A_150 = arith.constant 5100 : i32
    %broadcast_in_dim3A_151 = vector.broadcast %jit3A_150 : i32 to vector<16xi32>
    %select_n3A_152 = arith.select %and3A_147, %sub3A_149, %broadcast_in_dim3A_151 : vector<16xi1>, vector<16xi32>
    %swap3A_153 = arith.constant 64 : index
    %swap3A_154 = tpu.vector_load %arg9[%swap3A_153] {strides = array<i32>} : memref<80xi32, #tpu.memory_space<vmem>>, vector<16xi32>,
    %swap3A_155 = vector.shape_cast %swap3A_154 : vector<16xi32> to vector<16xi32>
    %swap3A_156 = vector.shape_cast %select_n3A_152 : vector<16xi32> to vector<16xi32>
    tpu.vector_store %arg9[%swap3A_153], %swap3A_156 {strides = array<i32>} : memref<80xi32, #tpu.memory_space<vmem>>, vector<16xi32>,
    "tpu.region"() ({
      %run_scoped3A = tpu.sem_alloc : memref<!tpu.dma_semaphore, #tpu.memory_space<semaphore_mem>>
      %dma_start3A_164 = arith.constant 0 : i32
      %dma_start3A_165 = arith.constant 0 : i32
      %dma_start3A_166 = tpu.memref_slice %arg11[%dma_start3A_164, %dma_start3A_165] : memref<160x256xf32, #tpu.memory_space<vmem>> -> memref<80x256xf32, #tpu.memory_space<vmem>>
      %dma_start3A_167 = arith.constant 0 : i32
      %dma_start3A_168 = arith.constant 0 : i32
      %dma_start3A_169 = tpu.memref_slice %arg14[%dma_start3A_167, %dma_start3A_168] : memref<5120x256xf32, #tpu.memory_space<vmem_shared>> -> memref<5120x256xf32, #tpu.memory_space<vmem_shared>>
      tpu.enqueue_indirect_dma source(%dma_start3A_166 : memref<80x256xf32, #tpu.memory_space<vmem>>) target(%dma_start3A_169 : memref<5120x256xf32, #tpu.memory_space<vmem_shared>>) offsets(%arg9 : memref<80xi32, #tpu.memory_space<vmem>>) semaphore(%run_scoped3A : memref<!tpu.dma_semaphore, #tpu.memory_space<semaphore_mem>>) {add = true}
      %dma_wait3A_170 = arith.constant 0 : i32
      %dma_wait3A_171 = arith.constant 0 : i32
      %dma_wait3A_172 = tpu.memref_slice %arg11[%dma_wait3A_170, %dma_wait3A_171] : memref<160x256xf32, #tpu.memory_space<vmem>> -> memref<80x256xf32, #tpu.memory_space<vmem>>
      %dma_wait3A_173 = arith.constant 0 : i32
      %dma_wait3A_174 = arith.constant 0 : i32
      %dma_wait3A_175 = tpu.memref_slice %arg14[%dma_wait3A_173, %dma_wait3A_174] : memref<5120x256xf32, #tpu.memory_space<vmem_shared>> -> memref<5120x256xf32, #tpu.memory_space<vmem_shared>>
      tpu.wait_indirect_dma semaphore(%run_scoped3A : memref<!tpu.dma_semaphore, #tpu.memory_space<semaphore_mem>>) src(%dma_wait3A_172 : memref<80x256xf32, #tpu.memory_space<vmem>>) dst(%dma_wait3A_175 : memref<5120x256xf32, #tpu.memory_space<vmem_shared>>)
      tpu.yield
    }) : () -> ()
    "tpu.region"() ({
      %run_scoped3A = tpu.sem_alloc : memref<!tpu.dma_semaphore, #tpu.memory_space<semaphore_mem>>
      %dma_start3A_164 = arith.constant 0 : i32
      %dma_start3A_165 = arith.constant 0 : i32
      %dma_start3A_166 = tpu.memref_slice %arg15[%dma_start3A_164, %dma_start3A_165] : memref<5120x32xbf16, #tpu.memory_space<vmem_shared>> -> memref<5120x32xbf16, #tpu.memory_space<vmem_shared>>
      tpu.enqueue_indirect_dma source(%arg12 : memref<80x32xbf16, #tpu.memory_space<vmem>>) target(%dma_start3A_166 : memref<5120x32xbf16, #tpu.memory_space<vmem_shared>>) offsets(%arg9 : memref<80xi32, #tpu.memory_space<vmem>>) semaphore(%run_scoped3A : memref<!tpu.dma_semaphore, #tpu.memory_space<semaphore_mem>>) {add = true}
      %dma_wait3A_167 = arith.constant 0 : i32
      %dma_wait3A_168 = arith.constant 0 : i32
      %dma_wait3A_169 = tpu.memref_slice %arg15[%dma_wait3A_167, %dma_wait3A_168] : memref<5120x32xbf16, #tpu.memory_space<vmem_shared>> -> memref<5120x32xbf16, #tpu.memory_space<vmem_shared>>
      tpu.wait_indirect_dma semaphore(%run_scoped3A : memref<!tpu.dma_semaphore, #tpu.memory_space<semaphore_mem>>) src(%arg12 : memref<80x32xbf16, #tpu.memory_space<vmem>>) dst(%dma_wait3A_169 : memref<5120x32xbf16, #tpu.memory_space<vmem_shared>>)
      tpu.yield
    }) : () -> ()
    %barrier3A_157 = arith.constant 0 : index
    tpu.barrier barrier_id(%barrier3A_157)
    %mul3A_158 = arith.constant 5000 : i32
    %mul3A_159 = arith.muli %arg0, %mul3A_158 : i32
    %add3A_160 = arith.addi %mul3A_159, %mul3A_16 : i32
    "tpu.region"() ({
      %run_scoped3A = tpu.sem_alloc : memref<!tpu.dma_semaphore, #tpu.memory_space<semaphore_mem>>
      %dma_start3A_164 = arith.constant 0 : i32
      %dma_start3A_165 = tpu.memref_slice %arg5[%add3A_160, %dma_start3A_164] : memref<10000x256xf32, #tpu.memory_space<hbm>> -> memref<200x256xf32, #tpu.memory_space<hbm>>
      %dma_start3A_166 = arith.constant 0 : i32
      %dma_start3A_167 = tpu.memref_slice %arg14[%mul3A_16, %dma_start3A_166] : memref<5120x256xf32, #tpu.memory_space<vmem_shared>> -> memref<200x256xf32, #tpu.memory_space<vmem_shared>>
      tpu.enqueue_dma source(%dma_start3A_167 : memref<200x256xf32, #tpu.memory_space<vmem_shared>>) target(%dma_start3A_165 : memref<200x256xf32, #tpu.memory_space<hbm>>) target_semaphore(%run_scoped3A : memref<!tpu.dma_semaphore, #tpu.memory_space<semaphore_mem>>)
      %dma_wait3A_168 = arith.constant 0 : i32
      %dma_wait3A_169 = tpu.memref_slice %arg5[%add3A_160, %dma_wait3A_168] : memref<10000x256xf32, #tpu.memory_space<hbm>> -> memref<200x256xf32, #tpu.memory_space<hbm>>
      %dma_wait3A_170 = arith.constant 0 : i32
      %dma_wait3A_171 = tpu.memref_slice %arg14[%mul3A_16, %dma_wait3A_170] : memref<5120x256xf32, #tpu.memory_space<vmem_shared>> -> memref<200x256xf32, #tpu.memory_space<vmem_shared>>
      tpu.wait_dma2 semaphore(%run_scoped3A : memref<!tpu.dma_semaphore, #tpu.memory_space<semaphore_mem>>) src(%dma_wait3A_171 : memref<200x256xf32, #tpu.memory_space<vmem_shared>>) dst(%dma_wait3A_169 : memref<200x256xf32, #tpu.memory_space<hbm>>)
      tpu.yield
    }) : () -> ()
    "tpu.region"() ({
      %run_scoped3A = tpu.sem_alloc : memref<!tpu.dma_semaphore, #tpu.memory_space<semaphore_mem>>
      %dma_start3A_164 = arith.constant 0 : i32
      %dma_start3A_165 = tpu.memref_slice %arg6[%add3A_160, %dma_start3A_164] : memref<10000x32xbf16, #tpu.memory_space<hbm>> -> memref<200x32xbf16, #tpu.memory_space<hbm>>
      %dma_start3A_166 = arith.constant 0 : i32
      %dma_start3A_167 = tpu.memref_slice %arg15[%mul3A_16, %dma_start3A_166] : memref<5120x32xbf16, #tpu.memory_space<vmem_shared>> -> memref<200x32xbf16, #tpu.memory_space<vmem_shared>>
      tpu.enqueue_dma source(%dma_start3A_167 : memref<200x32xbf16, #tpu.memory_space<vmem_shared>>) target(%dma_start3A_165 : memref<200x32xbf16, #tpu.memory_space<hbm>>) target_semaphore(%run_scoped3A : memref<!tpu.dma_semaphore, #tpu.memory_space<semaphore_mem>>)
      %dma_wait3A_168 = arith.constant 0 : i32
      %dma_wait3A_169 = tpu.memref_slice %arg6[%add3A_160, %dma_wait3A_168] : memref<10000x32xbf16, #tpu.memory_space<hbm>> -> memref<200x32xbf16, #tpu.memory_space<hbm>>
      %dma_wait3A_170 = arith.constant 0 : i32
      %dma_wait3A_171 = tpu.memref_slice %arg15[%mul3A_16, %dma_wait3A_170] : memref<5120x32xbf16, #tpu.memory_space<vmem_shared>> -> memref<200x32xbf16, #tpu.memory_space<vmem_shared>>
      tpu.wait_dma2 semaphore(%run_scoped3A : memref<!tpu.dma_semaphore, #tpu.memory_space<semaphore_mem>>) src(%dma_wait3A_171 : memref<200x32xbf16, #tpu.memory_space<vmem_shared>>) dst(%dma_wait3A_169 : memref<200x32xbf16, #tpu.memory_space<hbm>>)
      tpu.yield
    }) : () -> ()
    %lt3A_161 = arith.constant 15 : i32
    %lt3A_162 = arith.cmpi slt, %arg1, %lt3A_161 : i32
    %convert_element_type3A = arith.extui %lt3A_162 : i1 to i32
    %cond3A = arith.constant 0 : i32
    %cond3A_163 = arith.cmpi ne, %convert_element_type3A, %cond3A : i32
    scf.if %cond3A_163 {
      %add3A_164 = arith.constant 200 : i32
      %add3A_165 = arith.addi %mul3A_16, %add3A_164 : i32
      %add3A_166 = arith.constant 200 : i32
      %add3A_167 = arith.addi %add3A_160, %add3A_166 : i32
      "tpu.region"() ({
        %run_scoped3A = tpu.sem_alloc : memref<!tpu.dma_semaphore, #tpu.memory_space<semaphore_mem>>
        %dma_start3A_172 = arith.constant 0 : i32
        %dma_start3A_173 = tpu.memref_slice %arg5[%add3A_167, %dma_start3A_172] : memref<10000x256xf32, #tpu.memory_space<hbm>> -> memref<120x256xf32, #tpu.memory_space<hbm>>
        %dma_start3A_174 = arith.constant 0 : i32
        %dma_start3A_175 = tpu.memref_slice %arg14[%add3A_165, %dma_start3A_174] : memref<5120x256xf32, #tpu.memory_space<vmem_shared>> -> memref<120x256xf32, #tpu.memory_space<vmem_shared>>
        tpu.enqueue_dma source(%dma_start3A_175 : memref<120x256xf32, #tpu.memory_space<vmem_shared>>) target(%dma_start3A_173 : memref<120x256xf32, #tpu.memory_space<hbm>>) target_semaphore(%run_scoped3A : memref<!tpu.dma_semaphore, #tpu.memory_space<semaphore_mem>>)
        %dma_wait3A_176 = arith.constant 0 : i32
        %dma_wait3A_177 = tpu.memref_slice %arg5[%add3A_167, %dma_wait3A_176] : memref<10000x256xf32, #tpu.memory_space<hbm>> -> memref<120x256xf32, #tpu.memory_space<hbm>>
        %dma_wait3A_178 = arith.constant 0 : i32
        %dma_wait3A_179 = tpu.memref_slice %arg14[%add3A_165, %dma_wait3A_178] : memref<5120x256xf32, #tpu.memory_space<vmem_shared>> -> memref<120x256xf32, #tpu.memory_space<vmem_shared>>
        tpu.wait_dma2 semaphore(%run_scoped3A : memref<!tpu.dma_semaphore, #tpu.memory_space<semaphore_mem>>) src(%dma_wait3A_179 : memref<120x256xf32, #tpu.memory_space<vmem_shared>>) dst(%dma_wait3A_177 : memref<120x256xf32, #tpu.memory_space<hbm>>)
        tpu.yield
      }) : () -> ()
      %add3A_168 = arith.constant 200 : i32
      %add3A_169 = arith.addi %mul3A_16, %add3A_168 : i32
      %add3A_170 = arith.constant 200 : i32
      %add3A_171 = arith.addi %add3A_160, %add3A_170 : i32
      "tpu.region"() ({
        %run_scoped3A = tpu.sem_alloc : memref<!tpu.dma_semaphore, #tpu.memory_space<semaphore_mem>>
        %dma_start3A_172 = arith.constant 0 : i32
        %dma_start3A_173 = tpu.memref_slice %arg6[%add3A_171, %dma_start3A_172] : memref<10000x32xbf16, #tpu.memory_space<hbm>> -> memref<120x32xbf16, #tpu.memory_space<hbm>>
        %dma_start3A_174 = arith.constant 0 : i32
        %dma_start3A_175 = tpu.memref_slice %arg15[%add3A_169, %dma_start3A_174] : memref<5120x32xbf16, #tpu.memory_space<vmem_shared>> -> memref<120x32xbf16, #tpu.memory_space<vmem_shared>>
        tpu.enqueue_dma source(%dma_start3A_175 : memref<120x32xbf16, #tpu.memory_space<vmem_shared>>) target(%dma_start3A_173 : memref<120x32xbf16, #tpu.memory_space<hbm>>) target_semaphore(%run_scoped3A : memref<!tpu.dma_semaphore, #tpu.memory_space<semaphore_mem>>)
        %dma_wait3A_176 = arith.constant 0 : i32
        %dma_wait3A_177 = tpu.memref_slice %arg6[%add3A_171, %dma_wait3A_176] : memref<10000x32xbf16, #tpu.memory_space<hbm>> -> memref<120x32xbf16, #tpu.memory_space<hbm>>
        %dma_wait3A_178 = arith.constant 0 : i32
        %dma_wait3A_179 = tpu.memref_slice %arg15[%add3A_169, %dma_wait3A_178] : memref<5120x32xbf16, #tpu.memory_space<vmem_shared>> -> memref<120x32xbf16, #tpu.memory_space<vmem_shared>>
        tpu.wait_dma2 semaphore(%run_scoped3A : memref<!tpu.dma_semaphore, #tpu.memory_space<semaphore_mem>>) src(%dma_wait3A_179 : memref<120x32xbf16, #tpu.memory_space<vmem_shared>>) dst(%dma_wait3A_177 : memref<120x32xbf16, #tpu.memory_space<hbm>>)
        tpu.yield
      }) : () -> ()
    } else {
    }
    return
  }
}

module attributes {stable_mosaic.version = 14 : i64} {
  func.func @body(%arg0: i32, %arg1: memref<1000x256xf32, #tpu.memory_space<vmem>>, %arg2: memref<256x256xf32, #tpu.memory_space<vmem>>, %arg3: memref<256x256xf32, #tpu.memory_space<vmem>>, %arg4: memref<16x256xf32, #tpu.memory_space<vmem>>, %arg5: memref<256x256xf32, #tpu.memory_space<vmem>>, %arg6: memref<1x256xf32, #tpu.memory_space<vmem>>, %arg7: memref<1x256xf32, #tpu.memory_space<vmem>>, %arg8: memref<1000x256xf32, #tpu.memory_space<vmem>>, %arg9: memref<256x256xf32, #tpu.memory_space<vmem>>, %arg10: memref<16x256xf32, #tpu.memory_space<vmem>>, %arg11: memref<1x256xf32, #tpu.memory_space<vmem>>) attributes {dimension_semantics = [#tpu.dimension_semantics<arbitrary>], iteration_bounds = array<i64: 10>, scalar_prefetch = 0 : i64, scratch_operands = 0 : i64, tpu.core_type = #tpu.core_type<tc>, window_params = [{transform_indices = @transform_0, window_bounds = array<i64: 1000, 256>}, {pipeline_mode = #tpu.pipeline_mode<synchronous>, transform_indices = @transform_1, window_bounds = array<i64: 256, 256>}, {pipeline_mode = #tpu.pipeline_mode<synchronous>, transform_indices = @transform_2, window_bounds = array<i64: 256, 256>}, {pipeline_mode = #tpu.pipeline_mode<synchronous>, transform_indices = @transform_3, window_bounds = array<i64: 16, 256>}, {pipeline_mode = #tpu.pipeline_mode<synchronous>, transform_indices = @transform_4, window_bounds = array<i64: 256, 256>}, {pipeline_mode = #tpu.pipeline_mode<synchronous>, transform_indices = @transform_5, window_bounds = array<i64: 1, 256>}, {pipeline_mode = #tpu.pipeline_mode<synchronous>, transform_indices = @transform_6, window_bounds = array<i64: 1, 256>}, {transform_indices = @transform_7, window_bounds = array<i64: 1000, 256>}, {pipeline_mode = #tpu.pipeline_mode<synchronous>, transform_indices = @transform_8, window_bounds = array<i64: 256, 256>}, {pipeline_mode = #tpu.pipeline_mode<synchronous>, transform_indices = @transform_9, window_bounds = array<i64: 16, 256>}, {pipeline_mode = #tpu.pipeline_mode<synchronous>, transform_indices = @transform_10, window_bounds = array<i64: 1, 256>}]} {
    %get3A = arith.constant 0 : index
    %get3A_0 = arith.constant 0 : index
    %get3A_1 = vector.load %arg1[%get3A, %get3A_0] : memref<1000x256xf32, #tpu.memory_space<vmem>>, vector<1000x256xf32>
    %get3A_2 = arith.constant 0 : index
    %get3A_3 = arith.constant 0 : index
    %get3A_4 = vector.load %arg2[%get3A_2, %get3A_3] : memref<256x256xf32, #tpu.memory_space<vmem>>, vector<256x256xf32>
    %dot_general3A = arith.constant dense<0.000000e+00> : vector<1000x256xf32>
    %dot_general3A_5 = tpu.matmul %get3A_1, %get3A_4, %dot_general3A {dimension_numbers = #tpu.dot_dimension_numbers<[1], [0], [0], [1], [0, 0, 1, 1], [], []>, transpose_lhs_hint = false} : vector<1000x256xf32>, vector<256x256xf32>, vector<1000x256xf32> -> vector<1000x256xf32>
    %get3A_6 = arith.constant 0 : index
    %get3A_7 = arith.constant 0 : index
    %get3A_8 = vector.load %arg7[%get3A_6, %get3A_7] : memref<1x256xf32, #tpu.memory_space<vmem>>, vector<1x256xf32>
    %add3A = vector.broadcast %get3A_8 : vector<1x256xf32> to vector<1000x256xf32>
    %add3A_9 = arith.addf %dot_general3A_5, %add3A : vector<1000x256xf32>
    %swap3A = arith.constant 0 : index
    %swap3A_10 = arith.constant 0 : index
    %swap3A_11 = vector.load %arg8[%swap3A, %swap3A_10] : memref<1000x256xf32, #tpu.memory_space<vmem>>, vector<1000x256xf32>
    tpu.vector_store %arg8[%swap3A, %swap3A_10], %add3A_9 {strides = array<i32>} : memref<1000x256xf32, #tpu.memory_space<vmem>>, vector<1000x256xf32>,
    %eq3A = arith.constant 0 : i32
    %eq3A_12 = arith.cmpi eq, %arg0, %eq3A : i32
    %convert_element_type3A = arith.extui %eq3A_12 : i1 to i32
    %cond3A = arith.constant 0 : i32
    %cond3A_13 = arith.cmpi ne, %convert_element_type3A, %cond3A : i32
    scf.if %cond3A_13 {
      %get3A_14 = arith.constant 0 : index
      %get3A_15 = arith.constant 0 : index
      %get3A_16 = vector.load %arg3[%get3A_14, %get3A_15] : memref<256x256xf32, #tpu.memory_space<vmem>>, vector<256x256xf32>
      %get3A_17 = arith.constant 0 : index
      %get3A_18 = arith.constant 0 : index
      %get3A_19 = vector.load %arg5[%get3A_17, %get3A_18] : memref<256x256xf32, #tpu.memory_space<vmem>>, vector<256x256xf32>
      %dot_general3A_20 = arith.constant dense<0.000000e+00> : vector<256x256xf32>
      %dot_general3A_21 = tpu.matmul %get3A_16, %get3A_19, %dot_general3A_20 {dimension_numbers = #tpu.dot_dimension_numbers<[1], [0], [0], [1], [0, 0, 1, 1], [], []>, transpose_lhs_hint = false} : vector<256x256xf32>, vector<256x256xf32>, vector<256x256xf32> -> vector<256x256xf32>
      %swap3A_22 = arith.constant 0 : index
      %swap3A_23 = arith.constant 0 : index
      %swap3A_24 = vector.load %arg9[%swap3A_22, %swap3A_23] : memref<256x256xf32, #tpu.memory_space<vmem>>, vector<256x256xf32>
      tpu.vector_store %arg9[%swap3A_22, %swap3A_23], %dot_general3A_21 {strides = array<i32>} : memref<256x256xf32, #tpu.memory_space<vmem>>, vector<256x256xf32>,
      %get3A_25 = arith.constant 0 : index
      %get3A_26 = arith.constant 0 : index
      %get3A_27 = vector.load %arg4[%get3A_25, %get3A_26] : memref<16x256xf32, #tpu.memory_space<vmem>>, vector<16x256xf32>
      %get3A_28 = arith.constant 0 : index
      %get3A_29 = arith.constant 0 : index
      %get3A_30 = vector.load %arg5[%get3A_28, %get3A_29] : memref<256x256xf32, #tpu.memory_space<vmem>>, vector<256x256xf32>
      %dot_general3A_31 = arith.constant dense<0.000000e+00> : vector<16x256xf32>
      %dot_general3A_32 = tpu.matmul %get3A_27, %get3A_30, %dot_general3A_31 {dimension_numbers = #tpu.dot_dimension_numbers<[1], [0], [0], [1], [0, 0, 1, 1], [], []>, transpose_lhs_hint = false} : vector<16x256xf32>, vector<256x256xf32>, vector<16x256xf32> -> vector<16x256xf32>
      %swap3A_33 = arith.constant 0 : index
      %swap3A_34 = arith.constant 0 : index
      %swap3A_35 = vector.load %arg10[%swap3A_33, %swap3A_34] : memref<16x256xf32, #tpu.memory_space<vmem>>, vector<16x256xf32>
      tpu.vector_store %arg10[%swap3A_33, %swap3A_34], %dot_general3A_32 {strides = array<i32>} : memref<16x256xf32, #tpu.memory_space<vmem>>, vector<16x256xf32>,
      %get3A_36 = arith.constant 0 : index
      %get3A_37 = arith.constant 0 : index
      %get3A_38 = vector.load %arg6[%get3A_36, %get3A_37] : memref<1x256xf32, #tpu.memory_space<vmem>>, vector<1x256xf32>
      %get3A_39 = arith.constant 0 : index
      %get3A_40 = arith.constant 0 : index
      %get3A_41 = vector.load %arg5[%get3A_39, %get3A_40] : memref<256x256xf32, #tpu.memory_space<vmem>>, vector<256x256xf32>
      %dot_general3A_42 = arith.constant dense<0.000000e+00> : vector<1x256xf32>
      %dot_general3A_43 = tpu.matmul %get3A_38, %get3A_41, %dot_general3A_42 {dimension_numbers = #tpu.dot_dimension_numbers<[1], [0], [0], [1], [0, 0, 1, 1], [], []>, transpose_lhs_hint = false} : vector<1x256xf32>, vector<256x256xf32>, vector<1x256xf32> -> vector<1x256xf32>
      %swap3A_44 = arith.constant 0 : index
      %swap3A_45 = arith.constant 0 : index
      %swap3A_46 = vector.load %arg11[%swap3A_44, %swap3A_45] : memref<1x256xf32, #tpu.memory_space<vmem>>, vector<1x256xf32>
      tpu.vector_store %arg11[%swap3A_44, %swap3A_45], %dot_general3A_43 {strides = array<i32>} : memref<1x256xf32, #tpu.memory_space<vmem>>, vector<1x256xf32>,
    } else {
    }
    return
  }
  func.func @transform_0(%arg0: i32) -> (i32, i32) {
    %c0_i32 = arith.constant 0 : i32
    %c0_i32_0 = arith.constant 0 : i32
    return %arg0, %c0_i32 : i32, i32
  }
  func.func @transform_1(%arg0: i32) -> (i32, i32) {
    %c0_i32 = arith.constant 0 : i32
    %c0_i32_0 = arith.constant 0 : i32
    %c0_i32_1 = arith.constant 0 : i32
    return %c0_i32, %c0_i32_0 : i32, i32
  }
  func.func @transform_2(%arg0: i32) -> (i32, i32) {
    %c0_i32 = arith.constant 0 : i32
    %c0_i32_0 = arith.constant 0 : i32
    %c0_i32_1 = arith.constant 0 : i32
    return %c0_i32, %c0_i32_0 : i32, i32
  }
  func.func @transform_3(%arg0: i32) -> (i32, i32) {
    %c0_i32 = arith.constant 0 : i32
    %c0_i32_0 = arith.constant 0 : i32
    %c0_i32_1 = arith.constant 0 : i32
    return %c0_i32, %c0_i32_0 : i32, i32
  }
  func.func @transform_4(%arg0: i32) -> (i32, i32) {
    %c0_i32 = arith.constant 0 : i32
    %c0_i32_0 = arith.constant 0 : i32
    %c0_i32_1 = arith.constant 0 : i32
    return %c0_i32, %c0_i32_0 : i32, i32
  }
  func.func @transform_5(%arg0: i32) -> (i32, i32) {
    %c0_i32 = arith.constant 0 : i32
    %c0_i32_0 = arith.constant 0 : i32
    %c0_i32_1 = arith.constant 0 : i32
    return %c0_i32, %c0_i32_0 : i32, i32
  }
  func.func @transform_6(%arg0: i32) -> (i32, i32) {
    %c0_i32 = arith.constant 0 : i32
    %c0_i32_0 = arith.constant 0 : i32
    %c0_i32_1 = arith.constant 0 : i32
    return %c0_i32, %c0_i32_0 : i32, i32
  }
  func.func @transform_7(%arg0: i32) -> (i32, i32) {
    %c0_i32 = arith.constant 0 : i32
    %c0_i32_0 = arith.constant 0 : i32
    return %arg0, %c0_i32 : i32, i32
  }
  func.func @transform_8(%arg0: i32) -> (i32, i32) {
    %c0_i32 = arith.constant 0 : i32
    %c0_i32_0 = arith.constant 0 : i32
    %c0_i32_1 = arith.constant 0 : i32
    return %c0_i32, %c0_i32_0 : i32, i32
  }
  func.func @transform_9(%arg0: i32) -> (i32, i32) {
    %c0_i32 = arith.constant 0 : i32
    %c0_i32_0 = arith.constant 0 : i32
    %c0_i32_1 = arith.constant 0 : i32
    return %c0_i32, %c0_i32_0 : i32, i32
  }
  func.func @transform_10(%arg0: i32) -> (i32, i32) {
    %c0_i32 = arith.constant 0 : i32
    %c0_i32_0 = arith.constant 0 : i32
    %c0_i32_1 = arith.constant 0 : i32
    return %c0_i32, %c0_i32_0 : i32, i32
  }
}

module attributes {stable_mosaic.version = 14 : i64} {
  func.func @body(%arg0: i32, %arg1: memref<1000x256xf32, #tpu.memory_space<vmem>>, %arg2: memref<1000x256xf32, #tpu.memory_space<vmem>>, %arg3: memref<1000x32xbf16, #tpu.memory_space<vmem>>, %arg4: memref<256x256xf32, #tpu.memory_space<vmem>>, %arg5: memref<16x256xf32, #tpu.memory_space<vmem>>, %arg6: memref<1x256xf32, #tpu.memory_space<vmem>>, %arg7: memref<1000x256xf32, #tpu.memory_space<vmem>>) attributes {dimension_semantics = [#tpu.dimension_semantics<arbitrary>], iteration_bounds = array<i64: 10>, scalar_prefetch = 0 : i64, scratch_operands = 0 : i64, tpu.core_type = #tpu.core_type<tc>, window_params = [{transform_indices = @transform_0, window_bounds = array<i64: 1000, 256>}, {transform_indices = @transform_1, window_bounds = array<i64: 1000, 256>}, {transform_indices = @transform_2, window_bounds = array<i64: 1000, 32>}, {pipeline_mode = #tpu.pipeline_mode<synchronous>, transform_indices = @transform_3, window_bounds = array<i64: 256, 256>}, {pipeline_mode = #tpu.pipeline_mode<synchronous>, transform_indices = @transform_4, window_bounds = array<i64: 16, 256>}, {pipeline_mode = #tpu.pipeline_mode<synchronous>, transform_indices = @transform_5, window_bounds = array<i64: 1, 256>}, {transform_indices = @transform_6, window_bounds = array<i64: 1000, 256>}]} {
    %get3A = arith.constant 0 : index
    %get3A_0 = arith.constant 0 : index
    %get3A_1 = vector.load %arg3[%get3A, %get3A_0] : memref<1000x32xbf16, #tpu.memory_space<vmem>>, vector<1000x32xbf16>
    %convert_element_type3A = arith.extf %get3A_1 : vector<1000x32xbf16> to vector<1000x32xf32>
    %slice3A = vector.extract_strided_slice %convert_element_type3A {offsets = [0, 16], sizes = [1000, 1], strides = [1, 1]} : vector<1000x32xf32> to vector<1000x1xf32>
    %gt3A = arith.constant 0.000000e+00 : f32
    %gt3A_2 = vector.broadcast %gt3A : f32 to vector<1000x1xf32>
    %gt3A_3 = arith.cmpf ogt, %slice3A, %gt3A_2 : vector<1000x1xf32>
    %max3A = arith.constant 1.000000e+00 : f32
    %max3A_4 = vector.broadcast %max3A : f32 to vector<1000x1xf32>
    %max3A_5 = arith.maximumf %slice3A, %max3A_4 : vector<1000x1xf32>
    %div3A = arith.constant 1.000000e+00 : f32
    %div3A_6 = vector.broadcast %div3A : f32 to vector<1000x1xf32>
    %div3A_7 = arith.divf %div3A_6, %max3A_5 : vector<1000x1xf32>
    %jit3A = arith.constant 0.000000e+00 : f32
    %broadcast_in_dim3A = vector.broadcast %jit3A : f32 to vector<1000x1xf32>
    %select_n3A = arith.select %gt3A_3, %div3A_7, %broadcast_in_dim3A : vector<1000x1xi1>, vector<1000x1xf32>
    %gt3A_8 = arith.constant 0.000000e+00 : f32
    %gt3A_9 = vector.broadcast %gt3A_8 : f32 to vector<1000x1xf32>
    %gt3A_10 = arith.cmpf ogt, %slice3A, %gt3A_9 : vector<1000x1xf32>
    %jit3A_11 = arith.constant 1.000000e+00 : f32
    %jit3A_12 = arith.constant 0.000000e+00 : f32
    %broadcast_in_dim3A_13 = vector.broadcast %jit3A_11 : f32 to vector<1000x1xf32>
    %broadcast_in_dim3A_14 = vector.broadcast %jit3A_12 : f32 to vector<1000x1xf32>
    %select_n3A_15 = arith.select %gt3A_10, %broadcast_in_dim3A_13, %broadcast_in_dim3A_14 : vector<1000x1xi1>, vector<1000x1xf32>
    %get3A_16 = arith.constant 0 : index
    %get3A_17 = arith.constant 0 : index
    %get3A_18 = vector.load %arg1[%get3A_16, %get3A_17] : memref<1000x256xf32, #tpu.memory_space<vmem>>, vector<1000x256xf32>
    %get3A_19 = arith.constant 0 : index
    %get3A_20 = arith.constant 0 : index
    %get3A_21 = vector.load %arg2[%get3A_19, %get3A_20] : memref<1000x256xf32, #tpu.memory_space<vmem>>, vector<1000x256xf32>
    %mul3A = vector.broadcast %select_n3A : vector<1000x1xf32> to vector<1000x256xf32>
    %mul3A_22 = arith.mulf %get3A_21, %mul3A : vector<1000x256xf32>
    %get3A_23 = arith.constant 0 : index
    %get3A_24 = arith.constant 0 : index
    %get3A_25 = vector.load %arg4[%get3A_23, %get3A_24] : memref<256x256xf32, #tpu.memory_space<vmem>>, vector<256x256xf32>
    %dot_general3A = arith.constant dense<0.000000e+00> : vector<1000x256xf32>
    %dot_general3A_26 = tpu.matmul %mul3A_22, %get3A_25, %dot_general3A {dimension_numbers = #tpu.dot_dimension_numbers<[1], [0], [0], [1], [0, 0, 1, 1], [], []>, transpose_lhs_hint = false} : vector<1000x256xf32>, vector<256x256xf32>, vector<1000x256xf32> -> vector<1000x256xf32>
    %add3A = arith.addf %get3A_18, %dot_general3A_26 : vector<1000x256xf32>
    %slice3A_27 = vector.extract_strided_slice %convert_element_type3A {offsets = [0, 0], sizes = [1000, 16], strides = [1, 1]} : vector<1000x32xf32> to vector<1000x16xf32>
    %mul3A_28 = vector.broadcast %select_n3A : vector<1000x1xf32> to vector<1000x16xf32>
    %mul3A_29 = arith.mulf %slice3A_27, %mul3A_28 : vector<1000x16xf32>
    %get3A_30 = arith.constant 0 : index
    %get3A_31 = arith.constant 0 : index
    %get3A_32 = vector.load %arg5[%get3A_30, %get3A_31] : memref<16x256xf32, #tpu.memory_space<vmem>>, vector<16x256xf32>
    %dot_general3A_33 = arith.constant dense<0.000000e+00> : vector<1000x256xf32>
    %dot_general3A_34 = tpu.matmul %mul3A_29, %get3A_32, %dot_general3A_33 {dimension_numbers = #tpu.dot_dimension_numbers<[1], [0], [0], [1], [0, 0, 1, 1], [], []>, transpose_lhs_hint = false} : vector<1000x16xf32>, vector<16x256xf32>, vector<1000x256xf32> -> vector<1000x256xf32>
    %add3A_35 = arith.addf %add3A, %dot_general3A_34 : vector<1000x256xf32>
    %get3A_36 = arith.constant 0 : index
    %get3A_37 = arith.constant 0 : index
    %get3A_38 = vector.load %arg6[%get3A_36, %get3A_37] : memref<1x256xf32, #tpu.memory_space<vmem>>, vector<1x256xf32>
    %mul3A_39 = vector.broadcast %select_n3A_15 : vector<1000x1xf32> to vector<1000x256xf32>
    %mul3A_40 = vector.broadcast %get3A_38 : vector<1x256xf32> to vector<1000x256xf32>
    %mul3A_41 = arith.mulf %mul3A_39, %mul3A_40 : vector<1000x256xf32>
    %add3A_42 = arith.addf %add3A_35, %mul3A_41 : vector<1000x256xf32>
    %max3A_43 = arith.constant 0.000000e+00 : f32
    %max3A_44 = vector.broadcast %max3A_43 : f32 to vector<1000x256xf32>
    %max3A_45 = arith.maximumf %add3A_42, %max3A_44 : vector<1000x256xf32>
    %swap3A = arith.constant 0 : index
    %swap3A_46 = arith.constant 0 : index
    %swap3A_47 = vector.load %arg7[%swap3A, %swap3A_46] : memref<1000x256xf32, #tpu.memory_space<vmem>>, vector<1000x256xf32>
    tpu.vector_store %arg7[%swap3A, %swap3A_46], %max3A_45 {strides = array<i32>} : memref<1000x256xf32, #tpu.memory_space<vmem>>, vector<1000x256xf32>,
    return
  }
  func.func @transform_0(%arg0: i32) -> (i32, i32) {
    %c0_i32 = arith.constant 0 : i32
    %c0_i32_0 = arith.constant 0 : i32
    return %arg0, %c0_i32 : i32, i32
  }
  func.func @transform_1(%arg0: i32) -> (i32, i32) {
    %c0_i32 = arith.constant 0 : i32
    %c0_i32_0 = arith.constant 0 : i32
    return %arg0, %c0_i32 : i32, i32
  }
  func.func @transform_2(%arg0: i32) -> (i32, i32) {
    %c0_i32 = arith.constant 0 : i32
    %c0_i32_0 = arith.constant 0 : i32
    return %arg0, %c0_i32 : i32, i32
  }
  func.func @transform_3(%arg0: i32) -> (i32, i32) {
    %c0_i32 = arith.constant 0 : i32
    %c0_i32_0 = arith.constant 0 : i32
    %c0_i32_1 = arith.constant 0 : i32
    return %c0_i32, %c0_i32_0 : i32, i32
  }
  func.func @transform_4(%arg0: i32) -> (i32, i32) {
    %c0_i32 = arith.constant 0 : i32
    %c0_i32_0 = arith.constant 0 : i32
    %c0_i32_1 = arith.constant 0 : i32
    return %c0_i32, %c0_i32_0 : i32, i32
  }
  func.func @transform_5(%arg0: i32) -> (i32, i32) {
    %c0_i32 = arith.constant 0 : i32
    %c0_i32_0 = arith.constant 0 : i32
    %c0_i32_1 = arith.constant 0 : i32
    return %c0_i32, %c0_i32_0 : i32, i32
  }
  func.func @transform_6(%arg0: i32) -> (i32, i32) {
    %c0_i32 = arith.constant 0 : i32
    %c0_i32_0 = arith.constant 0 : i32
    return %arg0, %c0_i32 : i32, i32
  }
}

</mosaic_0001>

<sc_bundles>
// kernel: kernel.5.cloned.1.call-start
scs
__scs_entry_jumppad:
0x0: {  	(pc) =	sbr.rel $0x88, $3  }
0x1: {  	(tag) =	ssettag $0x0;
	lr =	simm.s32 $0x1  }
0x2: {  	[smem:$0x3F9A] =	sst lr;
	_ =	strace $0xD0000000  }
0x3: {  	_ = 	snop  }
0x4: {  	_ = 	snop  }
0x5: {  	_ = 	snop  }
0x6: {  	_ = 	snop  }
0x7: {  	_ = 	snop  }
__scs_overlays_trampoline_lowered:
0x8: {  	[smem:$0x3FA9] =	sst s0  }
0x9: {  	[smem:$0x3FAA] =	sst s1  }
0xa: {  	[smem:$0x3FAB] =	sst s2  }
0xb: {  	[smem:$0x3FAC] =	sst s3  }
0xc: {  	[smem:$0x3FAD] =	sst s4  }
0xd: {  	[smem:$0x3FAE] =	sst s5  }
0xe: {  	[smem:$0x3FAF] =	sst s6  }
0xf: {  	[smem:$0x3FB0] =	sst s7  }
0x10: {  	[smem:$0x3FB1] =	sst s8  }
0x11: {  	[smem:$0x3FB2] =	sst s9;
	s0 =	simm.s32 @!p0 $0x0  }
0x12: {  	s1 =	sld [smem:$0x3F98];
	s0 =	simm.s32 @p0 $0x1  }
0x13: {  	[smem:$0x3FB3] =	sst s0;
	s0 =	simm.s32 @!p1 $0x0  }
0x14: {  	s2 =	sld [smem:$0x3F97];
	s0 =	simm.s32 @p1 $0x1  }
0x15: {  	[smem:$0x3FB4] =	sst s0;
	s0 =	simm.s32 @!p2 $0x0  }
0x16: {  	s3 =	sld [smem:$0x3FDB];
	s0 =	simm.s32 @p2 $0x1  }
0x17: {  	s4 =	simm.s32 $0x1BF5;
	[smem:$0x3FB6] =	sst s0  }
0x18: {  	s0 =	sld [smem:$0x3F99];
	_ =	swait.ge [sflag:s4], $0x0  }
0x19: {  	s7 =	sld [smem:$0x3F9A]  }
0x1a: {  	s8 =	sadd.s32 $0xFFFFE003, lr  }
0x1b: {  	s9 =	sadd.s32 $0xFFFFFEF7, lr;
	s5 =	simm.s32 $0xFFFFFFFF;
	p2 =	slt.u32 s8, $0xFFFFF086  }
0x1c: {  	p1 =	slt.u32 s9, $0xF7A;
	s5 =	simm.s32 @!p2 $0x0  }
0x1d: {  	s5 =	simm.s32 @p1 $0x1;
	p0 =	seq.s32 s7, s2  }
0x1e: {  	s7 =	smul.u32 @!p0 $0xF7A, s2;
	p2 =	seq.s32 @!p0 s5, $0x0  }
0x1f: {  	s9 =	smul.u32 $0xF7A, s1;
	s8 =	simm.s32 @!p0 $0x1BF5;
	p2 =	por !p2, p0  }
0x20: {  	[sflag:s8] =	ssyncset.s32 @!p0 $0xFFFFF086;
	s6 =	sadd.s32 @!p0 s3, s7;
	s7 =	simm.s32 @!p0 $0x108  }
0x21: {  	s3 =	sadd.s32 s3, s9;
	s6 =	sadd.s32 @!p0 $0x88, s6;
	s7 =	simm.s32 @p2 $0x1082  }
0x22: {  	[simem:s7], [sflag:s8] =	dma.local @!p0 [hbm:s6], $0xF7A  }
0x23: {  	s9 =	sor.u32 $0xD0000000, s2;
	s6 =	simm.s32 $0x108;
	_ =	swait.ge @!p0 [sflag:s8], $0x0  }
0x24: {  	s3 =	sadd.s32 $0x88, s3;
	s6 =	simm.s32 @!p1 $0x1082;
	[sflag:s4] =	ssyncset.s32 $0xFFFFF086  }
0x25: {  	[simem:s6], [sflag:s4] =	dma.local [hbm:s3], $0xF7A  }
0x26: {  	[smem:$0x3F9A] =	sst s1;
	(tag) =	ssettag s2;
	_ =	strace s9  }
0x27: {  	s1 =	sld [smem:$0x3FAA]  }
0x28: {  	s2 =	sld [smem:$0x3FAB]  }
0x29: {  	s4 =	sld [smem:$0x3FAD]  }
0x2a: {  	p0 =	seq.s32 s5, $0x0;
	s5 =	sld [smem:$0x3FAE]  }
0x2b: {  	s6 =	sld [smem:$0x3FAF]  }
0x2c: {  	s7 =	sld [smem:$0x3FB0]  }
0x2d: {  	s3 =	simm.s32 $0x108;
	s8 =	sld [smem:$0x3FB1]  }
0x2e: {  	s3 =	simm.s32 @!p0 $0x1082;
	s9 =	sld [smem:$0x3FB2]  }
0x2f: {  	lr =	sadd.s32 s0, s3;
	s0 =	sld [smem:$0x3FA9]  }
0x30: {  	s3 =	sld [smem:$0x3FAC]  }
0x31: {  	[smem:$0x3FB5] =	sst s10  }
0x32: {  	s10 =	sld [smem:$0x3FB3];
	_ =	sdelay $0x3  }
0x33: {  	p0 =	seq.s32 s10, $0x1;
	s10 =	sld [smem:$0x3FB5];
	_ =	sdelay $0x3  }
0x34: {  	[smem:$0x3FB5] =	sst s10  }
0x35: {  	s10 =	sld [smem:$0x3FB4];
	_ =	sdelay $0x3  }
0x36: {  	p1 =	seq.s32 s10, $0x1;
	s10 =	sld [smem:$0x3FB5];
	_ =	sdelay $0x3  }
0x37: {  	[smem:$0x3FB5] =	sst s10  }
0x38: {  	s10 =	sld [smem:$0x3FB6]  }
0x39: {  	_ = 	snop;
	(pc) =	sbr.ind lr, $3  }
0x3a: {  	_ = 	snop  }
0x3b: {  	_ = 	snop  }
0x3c: {  	p2 =	seq.s32 s10, $0x1;
	s10 =	sld [smem:$0x3FB5]  }
0x3d: {  	_ =	shalt  }
0x3e: {  	_ =	shalt  }
0x3f: {  	_ =	shalt  }
0x40: {  	_ =	shalt  }
0x41: {  	_ =	shalt  }
0x42: {  	_ =	shalt  }
0x43: {  	_ =	shalt  }
0x44: {  	_ =	shalt  }
0x45: {  	_ =	shalt  }
0x46: {  	_ =	shalt  }
0x47: {  	_ =	shalt  }
0x48: {  	_ =	shalt  }
0x49: {  	_ =	shalt  }
0x4a: {  	_ =	shalt  }
0x4b: {  	_ =	shalt  }
0x4c: {  	_ =	shalt  }
0x4d: {  	_ =	shalt  }
0x4e: {  	_ =	shalt  }
0x4f: {  	_ =	shalt  }
0x50: {  	_ =	shalt  }
0x51: {  	_ =	shalt  }
0x52: {  	_ =	shalt  }
0x53: {  	_ =	shalt  }
0x54: {  	_ =	shalt  }
0x55: {  	_ =	shalt  }
0x56: {  	_ =	shalt  }
0x57: {  	_ =	shalt  }
0x58: {  	_ =	shalt  }
0x59: {  	_ =	shalt  }
0x5a: {  	_ =	shalt  }
0x5b: {  	_ =	shalt  }
0x5c: {  	_ =	shalt  }
0x5d: {  	_ =	shalt  }
0x5e: {  	_ =	shalt  }
0x5f: {  	_ =	shalt  }
0x60: {  	_ =	shalt  }
0x61: {  	_ =	shalt  }
0x62: {  	_ =	shalt  }
0x63: {  	_ =	shalt  }
0x64: {  	_ =	shalt  }
0x65: {  	_ =	shalt  }
0x66: {  	_ =	shalt  }
0x67: {  	_ =	shalt  }
0x68: {  	_ =	shalt  }
0x69: {  	_ =	shalt  }
0x6a: {  	_ =	shalt  }
0x6b: {  	_ =	shalt  }
0x6c: {  	_ =	shalt  }
0x6d: {  	_ =	shalt  }
0x6e: {  	_ =	shalt  }
0x6f: {  	_ =	shalt  }
0x70: {  	_ =	shalt  }
0x71: {  	_ =	shalt  }
0x72: {  	_ =	shalt  }
0x73: {  	_ =	shalt  }
0x74: {  	_ =	shalt  }
0x75: {  	_ =	shalt  }
0x76: {  	_ =	shalt  }
0x77: {  	_ =	shalt  }
0x78: {  	_ =	shalt  }
0x79: {  	_ =	shalt  }
0x7a: {  	_ =	shalt  }
0x7b: {  	_ =	shalt  }
0x7c: {  	_ =	shalt  }
0x7d: {  	_ =	shalt  }
0x7e: {  	_ =	shalt  }
0x7f: {  	_ =	shalt  }
0x80: {  	_ =	shalt  }
0x81: {  	_ =	shalt  }
0x82: {  	_ =	shalt  }
0x83: {  	_ =	shalt  }
0x84: {  	_ =	shalt  }
0x85: {  	_ =	shalt  }
0x86: {  	_ =	shalt  }
0x87: {  	_ =	shalt  }
.Lfunc_end0:
.L_simem_size_0:
called_computation_lowered:
.L_overlay_start_0:
0x88: {  	s2 =	sld [smem:$0x3FD9]  }
0x89: {  	s3 =	sld [smem:$0x3FFE];
	_ =	sdelay $0x1  }
0x8a: {  	s1 =	srdreg.scid  }
0x8b: {  	s0 =	sand.u32 $0x1, s1  }
0x8c: {  	s17 =	sshll.u32 s0, $0xA;
	s2 =	sadd.s32 s3, s2  }
0x8d: {  	s2 =	sadd.s32 s2, s17  }
0x8e: {  	[smem:$0x3FC1] =	sst s2  }
0x8f: {  	_ = 	snop  }
0x90: {  	s2 =	sld [smem:$0x3FD0];
	(tm) =	ssettm $0x1  }
0x91: {  	s18 =	sld [smem:$0x3FFB];
	_ =	sdelay $0x3  }
0x92: {  	_ =	strace s18  }
0x93: {  	s3 =	sld [smem:$0x3FFC];
	_ =	sdelay $0x3  }
0x94: {  	_ =	strace s3  }
0x95: {  	s3 =	sld [smem:$0x3FFD];
	_ =	sdelay $0x3  }
0x96: {  	_ =	strace s3  }
0x97: {  	_ =	strace $0x8FFFFFFF  }
0x98: {  	s19 =	sld [smem:$0x3FDB];
	_ =	sdelay $0x1  }
0x99: {  	s4 =	simm.s32 $_scs_section_size  }
0x9a: {  	s5 =	simm.s32 $_size__tile_overlayer_lowered;
	s6 =	simm.s32 $_tile_overlayer_lowered  }
0x9b: {  	s22 =	simm.s32 $0x1BFF;
	s21 =	sshll.u32 s6, $0x1;
	s3 =	sadd.s32 s4, s19  }
0x9c: {  	s7 =	simm.s32 $0x0;
	s20 =	sshll.u32 s5, $0x1;
	s5 =	sadd.s32 s21, s3  }
0x9d: {  	[timem:s7], [sflag:s22] =	dma.local [hbm:s5], s20  }
0x9e: {  	_ =	swait.ge [sflag:s22], s20  }
0x9f: {  	s4 =	ssub.s32 $0x0, s20;
	[sflag:s22] =	ssyncset.done $0x0  }
0xa0: {  	[sflag:s22] =	ssyncadd.s32 s4;
	_ =	sdelay $0x1  }
0xa1: {  	s23 =	simm.s32 $0x1B8B  }
0xa2: {  	_ =	swait.ge [sflag:s23], $0x1  }
0xa3: {  	[sflag:s23] =	ssyncset.done $0x0  }
0xa4: {  	s25 =	simm.s32 $0x1B8E;
	s24 =	sld [smem:$0x3FFE];
	[sflag:s23] =	ssyncadd.s32 $0xFFFFFFFF  }
0xa5: {  	s26 =	simm.s32 $execute0_lowered;
	[smem:$0x3FD2] =	sst s25  }
0xa6: {  	s5 =	sshll.u32 s26, $0x1;
	_ =	strace $0x80000046;
	[dreg:$0x1] =	wrdreg $0xFFFFFFFF  }
0xa7: {  	s28 =	simm.s32 $_size_execute0_lowered;
	s3 =	sadd.s32 s3, s5;
	[dreg:$0x0] =	wrdreg $0x0  }
0xa8: {  	s5 =	sshll.u32 s28, $0x1;
	[dreg:$0x2] =	wrdreg s3  }
0xa9: {  	[dreg:$0x3] =	wrdreg s5  }
0xaa: {  	[dreg:$0x4] =	wrdreg $0xC0  }
0xab: {  	_ =	task [dreg:s7], $0x5FFFF  }
0xac: {  	[dreg:$0x1] =	wrdreg $0xFFFFFFFF  }
0xad: {  	[dreg:$0x0] =	wrdreg $0x60  }
0xae: {  	[dreg:$0x2] =	wrdreg s2  }
0xaf: {  	[dreg:$0x3] =	wrdreg s24  }
0xb0: {  	[dreg:$0x4] =	wrdreg $0xABE00  }
0xb1: {  	[dreg:$0x5] =	wrdreg $0x1EBE00  }
0xb2: {  	[dreg:$0x6] =	wrdreg $0x9  }
0xb3: {  	_ =	task.clear_ibuf [dreg:s7], $0x7FFFF;
	_ =	strace $0x90000046  }
0xb4: {  	s29 =	simm.s32 $0x9;
	_ =	strace $0x80000048  }
0xb5: {  	_ =	swait.ge [sflag:s29], $0x1  }
0xb6: {  	[sflag:s29] =	ssyncadd.s32 $0xFFFFFFFF  }
0xb7: {  	_ =	strace $0x90000048  }
0xb8: {  	_ =	sfence  }
0xb9: {  	s30 =	sld [smem:$0x0];
	_ =	sdelay $0x2  }
0xba: {  	s31 =	sshll.u32 s1, $0xD;
	s1 =	sshrl.u32 s1, $0x2  }
0xbb: {  	s3 =	sand.u32 $0x4000, s31;
	s1 =	sadd.s32 s1, s30  }
0xbc: {  	s0 =	sor.u32 s3, s0;
	s1 =	sshll.u32 s1, $0x11  }
0xbd: {  	s0 =	sor.u32 s1, s0  }
0xbe: {  	s0 =	sadd.s32 $0x8F2B, s0  }
0xbf: {  	[sflag:s0] =	ssyncadd.remote.s32 $0x1  }
0xc0: {  	_ =	sfence.sel $0xFFFF  }
0xc1: {  	[dreg:$0x0] =	wrdreg $0xFFFFFFFF;
	(pc) =	sbr.abs _section_cstart, $3  }
0xc2: {  	[dreg:$0x1] =	wrdreg $0xFFFFFFFF  }
0xc3: {  	_ =	task.clear_ibuf [dreg:s7], $0x2FFFF;
	_ =	strace $0x9FFFFFFF  }
0xc4: {  	(tm) =	ssettm $0x7FFFFFFF  }
0xc5: {  	_ =	shalt  }
tec
execute0_lowered:
.L_overlay_start_1:
0x0: {  	(tag) =	ssettag $0x1  }
0x1: {  	s1 =	rddreg [dreg:$0x0]  }
0x2: {  	s0 =	rddreg [dreg:$0x1]  }
0x3: {  	s3 =	rddreg [dreg:$0x2]  }
0x4: {  	s4 =	rddreg [dreg:$0x3];
	s15 =	stileid.u32  }
0x5: {  	s5 =	simm.s32 $0x0;
	s7 =	srdreg.scid;
	s2 =	smul.u32 $0x9C4, s15  }
0x6: {  	s28 =	simm.s32 $0xA6E0;
	s29 =	simm.s32 $0x51E0;
	s6 =	smul.u32 $0x4E20, s15  }
0x7: {  	s30 =	simm.s32 $0x1;
	s31 =	simm.s32 $0x3;
	s8 =	smul.u32 $0x140, s15  }
0x8: {  	[smem:$0x7FF] =	sst s5;
	s7 =	sand.u32 $0x1, s7;
	s10 =	smul.u32 $0x50000, s15  }
0x9: {  	s11 =	sadd.s32 $0x59C00, s0;
	s13 =	smul.u32 $0x5000, s15;
	p0 =	seq.s32 s15, $0xF  }
0xa: {  	_ =	strace $0x80000047;
	s26 =	ssub.s32 $0x2, s7;
	s19 =	smul.u32 $0x1388, s7  }
0xb: {  	s2 =	sadd.s32 s2, s0;
	s9 =	sadd.s32 s6, s0;
	s12 =	sshrl.u32 s26, $0x1  }
0xc: {  	s0 =	sadd.s32 $0xA7E00, s0;
	s16 =	sadd.s32 $0xA0, s8;
	s17 =	sshrl.u32 s13, $0x2  }
0xd: {  	s14 =	ssub.s32 s26, s12;
	s12 =	sshrl.u32 s10, $0x2;
	s18 =	sshll.u32 s16, $0x8  }
0xe: {  	s7 =	sadd.s32 s17, s4;
	s10 =	sshll.u32 s16, $0x4;
	s22 =	sadd.s32 s8, s19  }
0xf: {  	s23 =	sadd.s32 $0xBA00, s9;
	s25 =	sadd.s32 $0x1388, s19;
	s8 =	sadd.s32 $0xC8, s8  }
0x10: {  	s13 =	sadd.s32 $0xBAA0, s9;
	s9 =	simm.s32 $0x190;
	[dreg:$0x9] =	wrdreg s23  }
0x11: {  	s6 =	sadd.s32 s12, s3;
	s12 =	sadd.s32 s18, s3;
	[dreg:$0xc] =	wrdreg s25  }
0x12: {  	s20 =	sadd.s32 $0x500, s7;
	s10 =	sadd.s32 s10, s4;
	[dreg:$0x5] =	wrdreg s12  }
0x13: {  	s21 =	sadd.s32 $0xF00, s7;
	s24 =	sshll.u32 s22, $0x5;
	[dreg:$0x6] =	wrdreg s20  }
0x14: {  	s26 =	sadd.s32 $0xC8, s22;
	s18 =	sshll.u32 s8, $0x8;
	[dreg:$0x7] =	wrdreg s10  }
0x15: {  	s8 =	sshll.u32 s8, $0x4;
	s25 =	simm.s32 $0x50;
	[dreg:$0x8] =	wrdreg s21  }
0x16: {  	s12 =	sadd.s32 $0x1C00, s2;
	s2 =	sadd.s32 s11, s24;
	s10 =	sshll.u32 s22, $0x1  }
0x17: {  	v0 =	vmov s19;
	s17 =	sshll.u32 s26, $0x5;
	s20 =	simm.s32 $0x1E0;
	s19 =	rddreg [dreg:$0xc]  }
0x18: {  	s21 =	simm.s32 $0x5;
	s24 =	simm.s32 $0xA1E0;
	[dreg:$0xa] =	wrdreg s2  }
0x19: {  	s10 =	sadd.s32 s0, s10;
	s16 =	sadd.s32 s11, s17;
	s2 =	sshll.u32 s26, $0x1  }
0x1a: {  	s26 =	simm.s32 $0xA0;
	[dreg:$0xb] =	wrdreg s10;
	s10 =	sadd.s32 s18, s3  }
0x1b: {  	s17 =	sadd.s32 s0, s2;
	s0 =	sadd.s32 s8, s4;
	s18 =	smax.u32 s14, $0x1  }
0x1c: {  	s2 =	simm.s32 $0x2;
	s8 =	simm.s32 $0x4;
	s22 =	sshrl.u32 @!p0 s10, $0x3  }
0x1d: {  	v2 =	vimm.f32 $0.0e+00;
	v3 =	vimm.bf16 $0.0e+00;
	v1 =	vmov s19;
	s23 =	sshrl.u32 @!p0 s0, $0x3;
	s0 =	simm.s32 $0x140;
	s10 =	simm.s32 $0x0  }
.LBB2_1:
0x1e: {  	s11 =	simm.s32 $0x0;
	s14 =	simm.s32 $0x400  }
.LBB2_2:
0x1f: {  	p1 =	sne.s32 s14, $0x27C00;
	[tilespmem:s11+$0x2D0] =	vst v2  }
0x20: {  	[tilespmem:s11+$0x1E0] =	vst v2  }
0x21: {  	[tilespmem:s11+$0x1F0] =	vst v2  }
0x22: {  	[tilespmem:s11+$0x200] =	vst v2  }
0x23: {  	[tilespmem:s11+$0x210] =	vst v2  }
0x24: {  	[tilespmem:s11+$0x220] =	vst v2  }
0x25: {  	[tilespmem:s11+$0x230] =	vst v2  }
0x26: {  	[tilespmem:s11+$0x240] =	vst v2  }
0x27: {  	[tilespmem:s11+$0x250] =	vst v2  }
0x28: {  	[tilespmem:s11+$0x260] =	vst v2  }
0x29: {  	[tilespmem:s11+$0x270] =	vst v2  }
.Ltmp0:
0x2a: {  	[tilespmem:s11+$0x280] =	vst v2;
	(pc) =	sbr.rel @p1 .LBB2_2-.Ltmp0, $4  }
0x2b: {  	[tilespmem:s11+$0x290] =	vst v2  }
0x2c: {  	[tilespmem:s11+$0x2A0] =	vst v2  }
0x2d: {  	[tilespmem:s11+$0x2B0] =	vst v2  }
0x2e: {  	[tilespmem:s11+$0x2C0] =	vst v2;
	s11 =	sshra.s32 s14, $0x2;
	s14 =	sadd.s32 $0x400, s14  }
0x2f: {  	[tilespmem:s11+$0x2D0] =	vst v2  }
0x30: {  	[tilespmem:s11+$0x1E0] =	vst v2  }
0x31: {  	[tilespmem:s11+$0x1F0] =	vst v2  }
0x32: {  	[tilespmem:s11+$0x200] =	vst v2  }
0x33: {  	[tilespmem:s11+$0x210] =	vst v2  }
0x34: {  	[tilespmem:s11+$0x220] =	vst v2  }
0x35: {  	[tilespmem:s11+$0x230] =	vst v2  }
0x36: {  	[tilespmem:s11+$0x240] =	vst v2  }
0x37: {  	[tilespmem:s11+$0x250] =	vst v2  }
0x38: {  	[tilespmem:s11+$0x260] =	vst v2  }
0x39: {  	[tilespmem:s11+$0x270] =	vst v2  }
0x3a: {  	[tilespmem:s11+$0x280] =	vst v2  }
0x3b: {  	[tilespmem:s11+$0x290] =	vst v2  }
0x3c: {  	[tilespmem:s11+$0x2A0] =	vst v2  }
0x3d: {  	[tilespmem:s11+$0x2B0] =	vst v2  }
0x3e: {  	[tilespmem:s11+$0x2C0] =	vst v2;
	s11 =	simm.s32 $0x40;
	s14 =	simm.s32 $0x0  }
.LBB2_4:
0x3f: {  	p1 =	sne.s32 s11, $0x13C0;
	[tilespmem:s14+$0xA1E0] =	vst v3;
	s14 =	smov.u32 s11;
	s11 =	sadd.s32 $0x40, s11  }
.Ltmp1:
0x40: {  	(pc) =	sbr.rel @p1 .LBB2_4-.Ltmp1, $2  }
0x41: {  	_ =	sdelay $0x2  }
0x42: {  	s14 =	sshra.s32 s14, $0x2  }
0x43: {  	[tilespmem:s14+$0xA1E0] =	vst v3  }
0x44: {  	[spmem:s6] =	stream.linear.scatter [tilespmem:s20], [sflag:$0x5], $0xA000, $0x38;
	v63 =	vld [tilespmem:$0x0]  }
0x45: {  	_ =	swait.ge [sflag:s21], $0xA000  }
0x46: {  	[sflag:s21] =	ssyncset.done $0x0  }
0x47: {  	s11 =	rddreg [dreg:$0x5];
	[sflag:s21] =	ssyncadd.s32 $0xFFFF6000  }
0x48: {  	[spmem:s11] =	stream.linear.scatter [tilespmem:s20], [sflag:$0x5], $0xA000, $0x38;
	v63 =	vld [tilespmem:$0x0]  }
0x49: {  	_ =	swait.ge [sflag:s21], $0xA000  }
0x4a: {  	[sflag:s21] =	ssyncset.done $0x0  }
0x4b: {  	[sflag:s21] =	ssyncadd.s32 $0xFFFF6000  }
0x4c: {  	[spmem:s7] =	stream.linear.scatter [tilespmem:s24], [sflag:$0x5], $0x500, $0x38;
	v63 =	vld [tilespmem:$0x0]  }
0x4d: {  	_ =	swait.ge [sflag:s21], $0x500  }
0x4e: {  	[sflag:s21] =	ssyncset.done $0x0  }
0x4f: {  	s19 =	rddreg [dreg:$0x6];
	[sflag:s21] =	ssyncadd.s32 $0xFFFFFB00  }
0x50: {  	[spmem:s19] =	stream.linear.scatter [tilespmem:s24], [sflag:$0x5], $0x500, $0x38;
	v63 =	vld [tilespmem:$0x0]  }
0x51: {  	_ =	swait.ge [sflag:s21], $0x500  }
0x52: {  	[sflag:s21] =	ssyncset.done $0x0  }
0x53: {  	s14 =	rddreg [dreg:$0x7];
	[sflag:s21] =	ssyncadd.s32 $0xFFFFFB00  }
0x54: {  	[spmem:s14] =	stream.linear.scatter [tilespmem:s24], [sflag:$0x5], $0x500, $0x38;
	v63 =	vld [tilespmem:$0x0]  }
0x55: {  	_ =	swait.ge [sflag:s21], $0x500  }
0x56: {  	[sflag:s21] =	ssyncset.done $0x0  }
0x57: {  	s15 =	rddreg [dreg:$0x8];
	[sflag:s21] =	ssyncadd.s32 $0xFFFFFB00  }
0x58: {  	[spmem:s15] =	stream.linear.scatter [tilespmem:s24], [sflag:$0x5], $0x500, $0x38;
	v63 =	vld [tilespmem:$0x0]  }
0x59: {  	_ =	swait.ge [sflag:s21], $0x500  }
0x5a: {  	[sflag:s21] =	ssyncset.done $0x0  }
0x5b: {  	[sflag:s21] =	ssyncadd.s32 $0xFFFFFB00  }
0x5c: {  	s19 =	simm.s32 $0x0;
	[bflag:$0x0] =	sbarrier.arrive $0xFFFF  }
0x5d: {  	[tilespmem:s19], [sflag:$0x5] =	stream.linear.gather [hbm4b:s12+s19], $0xA0, $0x38;
	v63 =	vld [tilespmem:$0x0]  }
0x5e: {  	_ =	swait.ge [sflag:s21], $0xA0  }
0x5f: {  	[sflag:s21] =	ssyncset.done $0x0  }
0x60: {  	s15 =	rddreg [dreg:$0x9];
	[sflag:s21] =	ssyncadd.s32 $0xFFFFFF60  }
0x61: {  	[tilespmem:s24], [sflag:$0x3] =	stream.linear.gather [hbm4b:s15+s19], $0x500, $0x38;
	v63 =	vld [tilespmem:$0x0]  }
0x62: {  	_ = 	snop  }
0x63: {  	[tilespmem:s20], [sflag:$0x1] =	stream.indirect.gather [hbm4b:s1+s25], $0x100, s19, s25, $0xb8;
	v63 =	vld [tilespmem:$0x0]  }
0x64: {  	s19 =	sadd.s32 $0x0, s12  }
0x65: {  	s15 =	sadd.s32 $0x14, s19  }
0x66: {  	[tilespmem:s26], [sflag:$0x5] =	stream.linear.gather [hbm4b:s15+s5], $0xA0, $0x38;
	v63 =	vld [tilespmem:$0x0]  }
0x67: {  	_ =	swait.ge [sflag:s21], $0xA0  }
0x68: {  	[sflag:s21] =	ssyncset.done $0x0  }
0x69: {  	[sflag:s21] =	ssyncadd.s32 $0xFFFFFF60  }
0x6a: {  	[tilespmem:s28], [sflag:$0x4] =	stream.linear.gather [hbm4b:s13+s5], $0x500, $0x38;
	v63 =	vld [tilespmem:$0x0]  }
0x6b: {  	_ = 	snop  }
0x6c: {  	[tilespmem:s29], [sflag:$0x2] =	stream.indirect.gather [hbm4b:s1+s25], $0x100, s26, s25, $0xb8;
	v63 =	vld [tilespmem:$0x0]  }
0x6d: {  	_ =	swait.ge [sflag:s30], $0x5000  }
0x6e: {  	[sflag:s30] =	ssyncset.done $0x0  }
0x6f: {  	[sflag:s30] =	ssyncadd.s32 $0xFFFFB000  }
0x70: {  	_ =	swait.ge [sflag:s31], $0x500  }
0x71: {  	[sflag:s31] =	ssyncset.done $0x0  }
0x72: {  	[sflag:s31] =	ssyncadd.s32 $0xFFFFFB00  }
0x73: {  	v4 =	vld [tilespmem:$0x80]  }
0x74: {  	v5 =	vld [tilespmem:$0x90]  }
0x75: {  	v6 =	vld [tilespmem:$0x50]  }
0x76: {  	v7 =	vld [tilespmem:$0x60];
	_ =	sdelay $0x1  }
0x77: {  	v8 =	vld [tilespmem:$0x70]  }
0x78: {  	vm0 =	vlt.s32 v4, v1;
	vm1 =	vge.s32 v5, v0;
	vm2 =	vlt.s32 v5, v1  }
0x79: {  	vm3 =	vge.s32 v4, v0;
	v4 =	vsub.s32 v4, v0;
	v5 =	vsub.s32 v5, v0  }
0x7a: {  	vm4 =	vge.s32 v6, v0;
	v9 =	vsub.s32 v7, v0;
	vm11 =	vlt.s32 v6, v1  }
0x7b: {  	vm12 =	vge.s32 v7, v0;
	vm13 =	vlt.s32 v7, v1;
	vm0 =	vmand vm3, vm0  }
0x7c: {  	vm14 =	vge.s32 v8, v0;
	vm1 =	vmand vm1, vm2;
	v4 =	vnsel vm0, $0x13EC, v4  }
0x7d: {  	v5 =	vnsel vm1, $0x13EC, v5;
	vm0 =	vmand vm4, vm11;
	[tilespmem:$0x170] =	vst v4;
	v4 =	vsub.s32 v6, v0  }
0x7e: {  	vm15 =	vlt.s32 v8, v1;
	vm1 =	vmand vm12, vm13;
	[tilespmem:$0x180] =	vst v5;
	v4 =	vnsel vm0, $0x13EC, v4  }
0x7f: {  	v5 =	vsub.s32 v8, v0;
	vm0 =	vmand vm14, vm15;
	[tilespmem:$0x140] =	vst v4;
	v4 =	vnsel vm1, $0x13EC, v9  }
0x80: {  	[tilespmem:$0x150] =	vst v4;
	v4 =	vnsel vm0, $0x13EC, v5  }
0x81: {  	[tilespmem:$0x160] =	vst v4  }
0x82: {  	[spmem:s3] =	stream.indirect.scatter.add.f32 [tilespmem:s20], [sflag:$0x5], $0x100, s0, s25, $0xb8;
	v63 =	vld [tilespmem:$0x0]  }
0x83: {  	_ =	swait.ge [sflag:s21], $0x5000  }
0x84: {  	[sflag:s21] =	ssyncset.done $0x0  }
0x85: {  	[sflag:s21] =	ssyncadd.s32 $0xFFFFB000  }
0x86: {  	[spmem:s4] =	stream.indirect.scatter.add.bf16 [tilespmem:s24], [sflag:$0x5], $0x10, s0, s25, $0xb8;
	v63 =	vld [tilespmem:$0x0]  }
0x87: {  	_ =	swait.ge [sflag:s21], $0x500  }
0x88: {  	[sflag:s21] =	ssyncset.done $0x0  }
0x89: {  	s11 =	sadd.s32 $0x28, s19;
	[sflag:s21] =	ssyncadd.s32 $0xFFFFFB00  }
0x8a: {  	[tilespmem:s5], [sflag:$0x5] =	stream.linear.gather [hbm4b:s11+s5], $0xA0, $0x38;
	v63 =	vld [tilespmem:$0x0]  }
0x8b: {  	_ =	swait.ge [sflag:s21], $0xA0  }
0x8c: {  	[sflag:s21] =	ssyncset.done $0x0  }
0x8d: {  	s19 =	sadd.s32 $0xA0, s13;
	[sflag:s21] =	ssyncadd.s32 $0xFFFFFF60  }
0x8e: {  	[tilespmem:s24], [sflag:$0x3] =	stream.linear.gather [hbm4b:s19+s5], $0x500, $0x38;
	v63 =	vld [tilespmem:$0x0]  }
0x8f: {  	_ = 	snop  }
0x90: {  	[tilespmem:s20], [sflag:$0x1] =	stream.indirect.gather [hbm4b:s1+s25], $0x100, s5, s25, $0xb8;
	v63 =	vld [tilespmem:$0x0]  }
0x91: {  	_ =	swait.ge [sflag:s2], $0x5000  }
0x92: {  	[sflag:s2] =	ssyncset.done $0x0  }
0x93: {  	[sflag:s2] =	ssyncadd.s32 $0xFFFFB000  }
0x94: {  	_ =	swait.ge [sflag:s8], $0x500  }
0x95: {  	[sflag:s8] =	ssyncset.done $0x0  }
0x96: {  	[sflag:s8] =	ssyncadd.s32 $0xFFFFFB00  }
0x97: {  	s11 =	simm.s32 $0x28;
	s19 =	smov.u32 s13;
	v4 =	vld [tilespmem:$0x110]  }
.LBB2_6:
0x98: {  	p1 =	sne.s32 s11, $0x988  }
0x99: {  	v5 =	vld [tilespmem:$0x100];
	s19 =	sadd.s32 $0x140, s19;
	s14 =	smov.u32 s11;
	s11 =	sadd.s32 $0x28, s11  }
0x9a: {  	v6 =	vld [tilespmem:$0xF0]  }
0x9b: {  	v7 =	vld [tilespmem:$0x130]  }
0x9c: {  	v8 =	vld [tilespmem:$0x120]  }
0x9d: {  	vm0 =	vge.s32 v4, v0;
	vm1 =	vlt.s32 v4, v1;
	v4 =	vsub.s32 v4, v0  }
0x9e: {  	vm2 =	vge.s32 v5, v0;
	vm3 =	vlt.s32 v5, v1;
	vm0 =	vmand vm0, vm1  }
0x9f: {  	v5 =	vsub.s32 v5, v0;
	vm1 =	vge.s32 v6, v0;
	vm2 =	vmand vm2, vm3  }
0xa0: {  	vm3 =	vlt.s32 v6, v1;
	v5 =	vnsel vm2, $0x13EC, v5;
	vm2 =	vge.s32 v7, v0  }
0xa1: {  	v6 =	vsub.s32 v6, v0;
	vm1 =	vmand vm1, vm3;
	vm3 =	vlt.s32 v7, v1;
	[tilespmem:$0x1A0] =	vst v5  }
0xa2: {  	v5 =	vnsel vm1, $0x13EC, v6;
	vm1 =	vmand vm2, vm3;
	v6 =	vsub.s32 v7, v0  }
0xa3: {  	vm2 =	vge.s32 v8, v0;
	vm3 =	vlt.s32 v8, v1;
	[tilespmem:$0x190] =	vst v5;
	v5 =	vnsel vm1, $0x13EC, v6  }
0xa4: {  	v4 =	vnsel vm0, $0x13EC, v4;
	vm0 =	vmand vm2, vm3;
	v6 =	vsub.s32 v8, v0;
	[tilespmem:$0x1D0] =	vst v5  }
0xa5: {  	[tilespmem:$0x1B0] =	vst v4;
	v4 =	vnsel vm0, $0x13EC, v6  }
0xa6: {  	[tilespmem:$0x1C0] =	vst v4  }
0xa7: {  	[spmem:s3] =	stream.indirect.scatter.add.f32 [tilespmem:s29], [sflag:$0x5], $0x100, s9, s25, $0xb8;
	v63 =	vld [tilespmem:$0x0]  }
0xa8: {  	_ =	swait.ge [sflag:s21], $0x5000  }
0xa9: {  	[sflag:s21] =	ssyncset.done $0x0  }
0xaa: {  	[sflag:s21] =	ssyncadd.s32 $0xFFFFB000  }
0xab: {  	[spmem:s4] =	stream.indirect.scatter.add.bf16 [tilespmem:s28], [sflag:$0x5], $0x10, s9, s25, $0xb8;
	v63 =	vld [tilespmem:$0x0]  }
0xac: {  	_ =	swait.ge [sflag:s21], $0x500  }
0xad: {  	s14 =	sadd.s32 s14, s12;
	[sflag:s21] =	ssyncset.done $0x0  }
0xae: {  	s15 =	sadd.s32 $0x14, s14;
	[sflag:s21] =	ssyncadd.s32 $0xFFFFFB00  }
0xaf: {  	[tilespmem:s26], [sflag:$0x5] =	stream.linear.gather [hbm4b:s15+s5], $0xA0, $0x38;
	v63 =	vld [tilespmem:$0x0]  }
0xb0: {  	_ =	swait.ge [sflag:s21], $0xA0  }
0xb1: {  	[sflag:s21] =	ssyncset.done $0x0  }
0xb2: {  	[sflag:s21] =	ssyncadd.s32 $0xFFFFFF60  }
0xb3: {  	[tilespmem:s28], [sflag:$0x4] =	stream.linear.gather [hbm4b:s19+s5], $0x500, $0x38;
	v63 =	vld [tilespmem:$0x0]  }
0xb4: {  	_ = 	snop  }
0xb5: {  	[tilespmem:s29], [sflag:$0x2] =	stream.indirect.gather [hbm4b:s1+s25], $0x100, s26, s25, $0xb8;
	v63 =	vld [tilespmem:$0x0]  }
0xb6: {  	_ =	swait.ge [sflag:s30], $0x5000  }
0xb7: {  	[sflag:s30] =	ssyncset.done $0x0  }
0xb8: {  	[sflag:s30] =	ssyncadd.s32 $0xFFFFB000  }
0xb9: {  	_ =	swait.ge [sflag:s31], $0x500  }
0xba: {  	[sflag:s31] =	ssyncset.done $0x0  }
0xbb: {  	[sflag:s31] =	ssyncadd.s32 $0xFFFFFB00  }
0xbc: {  	v4 =	vld [tilespmem:$0x80]  }
0xbd: {  	v5 =	vld [tilespmem:$0x90]  }
0xbe: {  	v6 =	vld [tilespmem:$0x70]  }
0xbf: {  	v7 =	vld [tilespmem:$0x50]  }
0xc0: {  	v8 =	vld [tilespmem:$0x60];
	_ =	sdelay $0x1  }
0xc1: {  	vm0 =	vlt.s32 v4, v1;
	vm1 =	vge.s32 v5, v0;
	vm2 =	vlt.s32 v5, v1  }
0xc2: {  	vm3 =	vge.s32 v4, v0;
	v4 =	vsub.s32 v4, v0;
	v5 =	vsub.s32 v5, v0  }
0xc3: {  	vm0 =	vmand vm3, vm0;
	vm1 =	vmand vm1, vm2;
	vm4 =	vge.s32 v7, v0  }
0xc4: {  	v4 =	vnsel vm0, $0x13EC, v4;
	v5 =	vnsel vm1, $0x13EC, v5;
	v9 =	vsub.s32 v8, v0  }
0xc5: {  	vm0 =	vlt.s32 v7, v1;
	vm1 =	vge.s32 v8, v0;
	vm2 =	vlt.s32 v8, v1;
	[tilespmem:$0x170] =	vst v4  }
0xc6: {  	vm0 =	vmand vm4, vm0;
	v4 =	vsub.s32 v7, v0;
	vm1 =	vmand vm1, vm2;
	[tilespmem:$0x180] =	vst v5  }
0xc7: {  	vm2 =	vlt.s32 v6, v1;
	v4 =	vnsel vm0, $0x13EC, v4;
	vm0 =	vge.s32 v6, v0  }
0xc8: {  	v5 =	vsub.s32 v6, v0;
	vm0 =	vmand vm0, vm2;
	[tilespmem:$0x140] =	vst v4;
	v4 =	vnsel vm1, $0x13EC, v9  }
0xc9: {  	[tilespmem:$0x150] =	vst v4;
	v4 =	vnsel vm0, $0x13EC, v5  }
0xca: {  	[tilespmem:$0x160] =	vst v4  }
0xcb: {  	[spmem:s3] =	stream.indirect.scatter.add.f32 [tilespmem:s20], [sflag:$0x5], $0x100, s0, s25, $0xb8;
	v63 =	vld [tilespmem:$0x0]  }
0xcc: {  	_ =	swait.ge [sflag:s21], $0x5000  }
0xcd: {  	[sflag:s21] =	ssyncset.done $0x0  }
0xce: {  	[sflag:s21] =	ssyncadd.s32 $0xFFFFB000  }
0xcf: {  	[spmem:s4] =	stream.indirect.scatter.add.bf16 [tilespmem:s24], [sflag:$0x5], $0x10, s0, s25, $0xb8;
	v63 =	vld [tilespmem:$0x0]  }
0xd0: {  	_ =	swait.ge [sflag:s21], $0x500  }
0xd1: {  	[sflag:s21] =	ssyncset.done $0x0  }
0xd2: {  	s14 =	sadd.s32 $0x28, s14;
	[sflag:s21] =	ssyncadd.s32 $0xFFFFFB00  }
0xd3: {  	[tilespmem:s5], [sflag:$0x5] =	stream.linear.gather [hbm4b:s14+s5], $0xA0, $0x38;
	v63 =	vld [tilespmem:$0x0]  }
0xd4: {  	_ =	swait.ge [sflag:s21], $0xA0  }
0xd5: {  	[sflag:s21] =	ssyncset.done $0x0  }
0xd6: {  	s14 =	sadd.s32 $0xA0, s19;
	[sflag:s21] =	ssyncadd.s32 $0xFFFFFF60  }
0xd7: {  	[tilespmem:s24], [sflag:$0x3] =	stream.linear.gather [hbm4b:s14+s5], $0x500, $0x38;
	v63 =	vld [tilespmem:$0x0]  }
0xd8: {  	_ = 	snop  }
0xd9: {  	[tilespmem:s20], [sflag:$0x1] =	stream.indirect.gather [hbm4b:s1+s25], $0x100, s5, s25, $0xb8;
	v63 =	vld [tilespmem:$0x0]  }
0xda: {  	_ =	swait.ge [sflag:s2], $0x5000  }
0xdb: {  	[sflag:s2] =	ssyncset.done $0x0  }
.Ltmp2:
0xdc: {  	[sflag:s2] =	ssyncadd.s32 $0xFFFFB000;
	(pc) =	sbr.rel @p1 .LBB2_6-.Ltmp2, $4  }
0xdd: {  	_ =	swait.ge [sflag:s8], $0x500  }
0xde: {  	[sflag:s8] =	ssyncset.done $0x0  }
0xdf: {  	[sflag:s8] =	ssyncadd.s32 $0xFFFFFB00  }
0xe0: {  	v4 =	vld [tilespmem:$0x110]  }
0xe1: {  	v5 =	vld [tilespmem:$0x100]  }
0xe2: {  	v6 =	vld [tilespmem:$0xF0]  }
0xe3: {  	v7 =	vld [tilespmem:$0x130]  }
0xe4: {  	v8 =	vld [tilespmem:$0x120];
	_ =	sdelay $0x1  }
0xe5: {  	vm0 =	vge.s32 v4, v0;
	vm1 =	vlt.s32 v4, v1;
	v4 =	vsub.s32 v4, v0  }
0xe6: {  	vm2 =	vge.s32 v5, v0;
	vm3 =	vlt.s32 v5, v1;
	vm0 =	vmand vm0, vm1  }
0xe7: {  	vm15 =	vge.s32 v6, v0;
	v5 =	vsub.s32 v5, v0;
	vm6 =	vlt.s32 v6, v1  }
0xe8: {  	vm7 =	vge.s32 v7, v0;
	v6 =	vsub.s32 v6, v0;
	vm10 =	vge.s32 v8, v0  }
0xe9: {  	vm11 =	vlt.s32 v8, v1;
	vm2 =	vmand vm2, vm3;
	v4 =	vnsel vm0, $0x13EC, v4  }
0xea: {  	v59 =	vsub.s32 v8, v0;
	vm12 =	vmand vm10, vm11;
	v5 =	vnsel vm2, $0x13EC, v5;
	[tilespmem:$0x1B0] =	vst v4  }
0xeb: {  	vm8 =	vlt.s32 v7, v1;
	vm1 =	vmand vm15, vm6;
	v4 =	vnsel vm12, $0x13EC, v59;
	[tilespmem:$0x1A0] =	vst v5  }
0xec: {  	v58 =	vsub.s32 v7, v0;
	vm9 =	vmand vm7, vm8;
	v5 =	vnsel vm1, $0x13EC, v6;
	[tilespmem:$0x1C0] =	vst v4  }
0xed: {  	[tilespmem:$0x190] =	vst v5;
	v5 =	vnsel vm9, $0x13EC, v58  }
0xee: {  	[tilespmem:$0x1D0] =	vst v5  }
0xef: {  	[spmem:s3] =	stream.indirect.scatter.add.f32 [tilespmem:s29], [sflag:$0x5], $0x100, s9, s25, $0xb8;
	v63 =	vld [tilespmem:$0x0]  }
0xf0: {  	_ =	swait.ge [sflag:s21], $0x5000  }
0xf1: {  	[sflag:s21] =	ssyncset.done $0x0  }
0xf2: {  	[sflag:s21] =	ssyncadd.s32 $0xFFFFB000  }
0xf3: {  	[spmem:s4] =	stream.indirect.scatter.add.bf16 [tilespmem:s28], [sflag:$0x5], $0x10, s9, s25, $0xb8;
	v63 =	vld [tilespmem:$0x0]  }
0xf4: {  	_ =	swait.ge [sflag:s21], $0x500  }
0xf5: {  	[sflag:s21] =	ssyncset.done $0x0  }
0xf6: {  	[sflag:s21] =	ssyncadd.s32 $0xFFFFFB00  }
0xf7: {  	_ =	swait.ge [sflag:s30], $0x5000  }
0xf8: {  	[sflag:s30] =	ssyncset.done $0x0  }
0xf9: {  	[sflag:s30] =	ssyncadd.s32 $0xFFFFB000  }
0xfa: {  	_ =	swait.ge [sflag:s31], $0x500  }
0xfb: {  	[sflag:s31] =	ssyncset.done $0x0  }
0xfc: {  	[sflag:s31] =	ssyncadd.s32 $0xFFFFFB00  }
0xfd: {  	v4 =	vld [tilespmem:$0x50]  }
0xfe: {  	v5 =	vld [tilespmem:$0x60]  }
0xff: {  	v60 =	vld [tilespmem:$0x70];
	_ =	sdelay $0x1  }
0x100: {  	v61 =	vld [tilespmem:$0x80];
	_ =	sdelay $0x1  }
0x101: {  	v62 =	vld [tilespmem:$0x90];
	vm13 =	vge.s32 v4, v0;
	vm14 =	vlt.s32 v4, v1;
	v4 =	vsub.s32 v4, v0  }
0x102: {  	vm15 =	vge.s32 v5, v0;
	vm6 =	vlt.s32 v5, v1;
	vm7 =	vge.s32 v60, v0  }
0x103: {  	vm8 =	vlt.s32 v60, v1;
	v5 =	vsub.s32 v5, v0;
	v6 =	vsub.s32 v60, v0  }
0x104: {  	vm10 =	vge.s32 v61, v0;
	vm11 =	vlt.s32 v61, v1;
	vm0 =	vmand vm13, vm14  }
0x105: {  	vm9 =	vmand vm7, vm8;
	v4 =	vnsel vm0, $0x13EC, v4;
	vm0 =	vmand vm15, vm6  }
0x106: {  	vm12 =	vmand vm10, vm11;
	vm13 =	vge.s32 v62, v0;
	[tilespmem:$0x140] =	vst v4;
	v4 =	vnsel vm0, $0x13EC, v5  }
0x107: {  	vm14 =	vlt.s32 v62, v1;
	v5 =	vnsel vm9, $0x13EC, v6;
	[tilespmem:$0x150] =	vst v4;
	v4 =	vsub.s32 v61, v0  }
0x108: {  	vm15 =	vmand vm13, vm14;
	[tilespmem:$0x160] =	vst v5;
	v5 =	vsub.s32 v62, v0;
	v4 =	vnsel vm12, $0x13EC, v4  }
0x109: {  	[tilespmem:$0x170] =	vst v4;
	v4 =	vnsel vm15, $0x13EC, v5  }
0x10a: {  	[tilespmem:$0x180] =	vst v4  }
0x10b: {  	[spmem:s3] =	stream.indirect.scatter.add.f32 [tilespmem:s20], [sflag:$0x5], $0x100, s0, s25, $0xb8;
	v63 =	vld [tilespmem:$0x0]  }
0x10c: {  	_ =	swait.ge [sflag:s21], $0x5000  }
0x10d: {  	[sflag:s21] =	ssyncset.done $0x0  }
0x10e: {  	[sflag:s21] =	ssyncadd.s32 $0xFFFFB000  }
0x10f: {  	[spmem:s4] =	stream.indirect.scatter.add.bf16 [tilespmem:s24], [sflag:$0x5], $0x10, s0, s25, $0xb8;
	v63 =	vld [tilespmem:$0x0]  }
0x110: {  	_ =	swait.ge [sflag:s21], $0x500  }
0x111: {  	[sflag:s21] =	ssyncset.done $0x0  }
0x112: {  	s11 =	stileid.u32;
	[sflag:s21] =	ssyncadd.s32 $0xFFFFFB00  }
0x113: {  	s11 =	sshll.u32 s11, $0x6;
	[bflag:$0x0] =	sbarrier.arrive $0xFFFF  }
0x114: {  	s14 =	sshrl.u32 s6, $0x3;
	s11 =	sor.u32 $0x1C05, s11;
	s15 =	rddreg [dreg:$0xa]  }
0x115: {  	[hbm:s15], [sflag:s11] =	dma.local [spmem:s14], $0x1900  }
0x116: {  	_ =	swait.ge [sflag:s21], $0x1900  }
0x117: {  	[sflag:s21] =	ssyncset.done $0x0  }
0x118: {  	s15 =	sshrl.u32 s7, $0x3;
	s19 =	rddreg [dreg:$0xb];
	[sflag:s21] =	ssyncadd.s32 $0xFFFFE700  }
0x119: {  	[hbm:s19], [sflag:s11] =	dma.local [spmem:s15], $0x190  }
0x11a: {  	_ =	swait.ge [sflag:s21], $0x190  }
0x11b: {  	[sflag:s21] =	ssyncset.done $0x0  }
0x11c: {  	s14 =	simm.s32 @!p0 $0x5;
	[sflag:s21] =	ssyncadd.s32 $0xFFFFFE70  }
0x11d: {  	[hbm:s16], [sflag:s11] =	dma.local @!p0 [spmem:s22], $0xF00  }
0x11e: {  	s10 =	sadd.s32 $0x1, s10;
	_ =	swait.ge @!p0 [sflag:s14], $0xF00  }
0x11f: {  	p1 =	sne.s32 s10, s18;
	[sflag:s14] =	ssyncset.done @!p0 $0x0  }
.Ltmp3:
0x120: {  	[sflag:s14] =	ssyncadd.s32 @!p0 $0xFFFFF100;
	(pc) =	sbr.rel @p1 .LBB2_1-.Ltmp3, $4  }
0x121: {  	[hbm:s17], [sflag:s11] =	dma.local @!p0 [spmem:s23], $0xF0  }
0x122: {  	_ =	swait.ge @!p0 [sflag:s14], $0xF0  }
0x123: {  	[sflag:s14] =	ssyncset.done @!p0 $0x0  }
0x124: {  	[sflag:s14] =	ssyncadd.s32 @!p0 $0xFFFFFF10  }
0x125: {  	_ =	sfence.sel $0x180000  }
0x126: {  	[bflag:$0x0] =	sbarrier.arrive $0xFFFF  }
0x127: {  	_ =	strace $0x90000047  }
0x128: {  	s0 =	stileid.u32;
	[bflag:$0x2] =	sbarrier.arrive $0xFFFF  }
0x129: {  	p0 =	sne.s32 s0, $0x0;
	s0 =	rddreg [dreg:$0x4]  }
0x12a: {  	s0 =	sadd.s32 @!p0 $0x100000, s0  }
0x12b: {  	[sflag:s0] =	ssyncadd.tile.s32 @!p0 $0x1;
	_ =	shalt  }
.Lfunc_end2:
_tile_overlayer_lowered:
.L_overlay_start_2:
0x12c: {  	(tag) =	ssettag $0x2  }
0x12d: {  	s0 =	rddreg [dreg:$0x0];
	s2 =	stileid.u32  }
0x12e: {  	s1 =	rddreg [dreg:$0x1];
	p0 =	sne.s32 s2, $0x0  }
0x12f: {  	s3 =	rddreg [dreg:$0x2];
	[bflag:$0x3] =	sbarrier.arrive $0xFFFF;
	s2 =	simm.s32 @!p0 $0x1C05  }
0x130: {  	[timem:s3], [sflag:s2] =	dma.local @!p0 [hbm:s0], s1  }
0x131: {  	s0 =	simm.s32 @!p0 $0x5  }
0x132: {  	_ =	swait.ge @!p0 [sflag:s0], s1  }
0x133: {  	s1 =	ssub.s32 @!p0 $0x0, s1;
	[sflag:s0] =	ssyncset.done @!p0 $0x0  }
0x134: {  	[sflag:s0] =	ssyncadd.s32 @!p0 s1  }
0x135: {  	[bflag:$0x3] =	sbarrier.arrive $0xFFFF  }
0x136: {  	_ =	shalt  }

</sc_bundles>
